<compile_context>
chip_gen: v7x
topology: tpu7x:2x2x1
jax: 0.10.2.dev20260603
libtpu: 0.0.44.dev20260713+nightly
codegen_flags: <defaults>
</compile_context>

<pallas_src>
import functools

import jax
import jax.numpy as jnp
from jax import lax
from jax.experimental import pallas as pl
from jax.experimental.pallas import tpu as pltpu
from jax.experimental.pallas import tpu_sc as plsc

N = 100000
E = 1600000
G_OUT = 2000
F = 50
NP = 100096
NC = 2
NS = 16
NW = NC * NS
SLICE = NP // NS
EPW = E // NW
CHUNK = 6400
NWCUT = 26
NWMAX = 8
PAIRS = NWMAX // 2
ECHUNK = 10000
ENITER = EPW // ECHUNK
EPAIRS = (ENITER - 1) // 2


def _zero_fill(vref, nwords):
    def body(i, carry):
        vref[pl.ds(i * 16, 16)] = jnp.zeros((16,), jnp.float32)
        return carry
    lax.fori_loop(0, nwords // 16, body, 0)


MAGIC = 0x5F3759DF


def _rsqrt16(d):
    ii = lax.bitcast_convert_type(d, jnp.int32)
    ii = jnp.full((16,), MAGIC, jnp.int32) - lax.shift_right_logical(
        ii, jnp.full((16,), 1, jnp.int32))
    y = lax.bitcast_convert_type(ii, jnp.float32)
    for _ in range(3):
        y = y * (1.5 - 0.5 * d * y * y)
    return y


def _deg_body(edge_hbm, out_hbm, idx_a, idx_b, dst_a, dst_b, ones_v, zbuf_v,
              sem_a, sem_b, ssem_a, ssem_b, deg_sh):
    c = lax.axis_index("c")
    s = lax.axis_index("s")
    wid = s * NC + c

    def ofill(i, carry):
        ones_v[pl.ds(i * 16, 16)] = jnp.full((16,), 1.0, jnp.float32)
        return carry
    lax.fori_loop(0, CHUNK // 16, ofill, 0)
    _zero_fill(zbuf_v, SLICE)

    sl = pl.ds(s * SLICE, SLICE)
    pltpu.sync_copy(zbuf_v, deg_sh.at[sl])
    plsc.subcore_barrier()

    nw = jnp.where(wid < NWCUT, NWMAX, NWMAX - 1)

    def start(j, buf, sem):
        g = (wid + 32 * j) * CHUNK
        pltpu.async_copy(edge_hbm.at[:, pl.ds(g, CHUNK)], buf, sem)

    def wait(buf, sem):
        pltpu.make_async_copy(edge_hbm.at[:, pl.ds(0, CHUNK)], buf,
                              sem).wait()

    def extract(buf, dbuf):
        def cp(i, carry):
            ix = pl.ds(i * 16, 16)
            dbuf[ix] = buf[1, ix]
            return carry
        lax.fori_loop(0, CHUNK // 16, cp, 0)

    def start_s(dbuf, ssem):
        pltpu.async_copy(ones_v, deg_sh.at[dbuf], ssem, add=True)

    def wait_s(dbuf, ssem):
        pltpu.make_async_copy(ones_v, deg_sh.at[dbuf], ssem).wait()

    start(0, idx_a, sem_a)

    def body(p, carry):
        @pl.when(2 * p + 1 < nw)
        def _():
            start(2 * p + 1, idx_b, sem_b)
        wait(idx_a, sem_a)

        @pl.when(p > 0)
        def _():
            wait_s(dst_a, ssem_a)
        extract(idx_a, dst_a)
        start_s(dst_a, ssem_a)

        @pl.when(2 * p + 2 < nw)
        def _():
            start(2 * p + 2, idx_a, sem_a)

        @pl.when(2 * p + 1 < nw)
        def _():
            wait(idx_b, sem_b)

            @pl.when(p > 0)
            def _():
                wait_s(dst_b, ssem_b)
            extract(idx_b, dst_b)
            start_s(dst_b, ssem_b)
        return carry
    lax.fori_loop(0, PAIRS, body, 0)
    wait_s(dst_a, ssem_a)
    wait_s(dst_b, ssem_b)

    plsc.subcore_barrier()
    pltpu.sync_copy(deg_sh.at[sl], zbuf_v)
    pltpu.sync_copy(zbuf_v, out_hbm.at[pl.ds(c * NP + s * SLICE, SLICE)])


LAST = N - (NS - 1) * SLICE


def _msg_body(edge_hbm, x_hbm, degp_hbm, w1_hbm,
              u0_out, u1_out,
              srcbuf, srcbuf_b, dstbuf, dstbuf_b, val_v, xbuf, p0buf, p1buf,
              tbuf, dinvbuf, zbuf_v, wbuf,
              sem_ea, sem_eb,
              t_sh, acc_sh):
    c = lax.axis_index("c")
    s = lax.axis_index("s")
    wid = s * NC + c
    base_w = wid * EPW
    sl = pl.ds(s * SLICE, SLICE)

    pltpu.async_copy(x_hbm.at[sl], xbuf, sem_ea)
    pltpu.async_copy(degp_hbm.at[pl.ds(s * SLICE, SLICE)], p0buf, sem_ea)
    pltpu.async_copy(degp_hbm.at[pl.ds(NP + s * SLICE, SLICE)], p1buf, sem_ea)
    pltpu.async_copy(w1_hbm, wbuf, sem_ea)
    pltpu.make_async_copy(x_hbm.at[sl], xbuf, sem_ea).wait()
    pltpu.make_async_copy(degp_hbm.at[pl.ds(s * SLICE, SLICE)], p0buf,
                          sem_ea).wait()
    pltpu.make_async_copy(degp_hbm.at[pl.ds(NP + s * SLICE, SLICE)], p1buf,
                          sem_ea).wait()
    pltpu.make_async_copy(w1_hbm, wbuf, sem_ea).wait()
    w = wbuf[...]

    def node(i, carry):
        ix = pl.ds(i * 16, 16)
        d = p0buf[ix] + p1buf[ix] + 1.0
        y = _rsqrt16(d)
        dinvbuf[ix] = y
        tbuf[ix] = xbuf[ix] * y * w
        return carry
    lax.fori_loop(0, SLICE // 16, node, 0)

    pltpu.sync_copy(tbuf, t_sh.at[sl])
    _zero_fill(zbuf_v, SLICE)
    pltpu.sync_copy(zbuf_v, acc_sh.at[sl])
    plsc.subcore_barrier()

    def start_e(k, sbuf, dbuf, esem):
        pltpu.async_copy(edge_hbm.at[pl.ds(base_w + k * ECHUNK, ECHUNK)],
                         sbuf, esem)
        pltpu.async_copy(edge_hbm.at[pl.ds(E + base_w + k * ECHUNK, ECHUNK)],
                         dbuf, esem)

    def wait_e(sbuf, dbuf, esem):
        e = pl.ds(base_w, ECHUNK)
        pltpu.make_async_copy(edge_hbm.at[e], sbuf, esem).wait()
        pltpu.make_async_copy(edge_hbm.at[e], dbuf, esem).wait()

    def proc(sbuf, dbuf):
        pltpu.sync_copy(t_sh.at[sbuf], val_v)
        pltpu.sync_copy(val_v, acc_sh.at[dbuf], add=True)

    start_e(0, srcbuf, dstbuf, sem_ea)

    def body(j, carry):
        start_e(2 * j + 1, srcbuf_b, dstbuf_b, sem_eb)
        wait_e(srcbuf, dstbuf, sem_ea)
        proc(srcbuf, dstbuf)
        start_e(2 * j + 2, srcbuf, dstbuf, sem_ea)
        wait_e(srcbuf_b, dstbuf_b, sem_eb)
        proc(srcbuf_b, dstbuf_b)
        return carry
    lax.fori_loop(0, EPAIRS, body, 0)
    wait_e(srcbuf, dstbuf, sem_ea)
    proc(srcbuf, dstbuf)

    plsc.subcore_barrier()
    pltpu.sync_copy(acc_sh.at[sl], p0buf)

    def post(i, carry):
        ix = pl.ds(i * 16, 16)
        p0buf[ix] = dinvbuf[ix] * (p0buf[ix] + 0.5 * tbuf[ix])
        return carry
    lax.fori_loop(0, SLICE // 16, post, 0)

    def wr(out_ref):
        @pl.when(s < NS - 1)
        def _():
            pltpu.sync_copy(p0buf, out_ref.at[sl])

        @pl.when(s == NS - 1)
        def _():
            pltpu.sync_copy(p0buf.at[pl.ds(0, LAST)],
                            out_ref.at[pl.ds((NS - 1) * SLICE, LAST)])

    @pl.when(c == 0)
    def _():
        wr(u0_out)

    @pl.when(c == 1)
    def _():
        wr(u1_out)


def _head_body(u0_ref, u1_ref, wfc_ref, bfc_ref, b1_ref, off_ref, out_ref):
    xg = u0_ref[...] + u1_ref[...] + b1_ref[0] + off_ref[0]
    out_ref[...] = (jnp.dot(xg, wfc_ref[...], preferred_element_type=jnp.float32)
                    + bfc_ref[...])


@functools.lru_cache(maxsize=1)
def _sc_calls():
    mesh = plsc.VectorSubcoreMesh(core_axis_name="c", subcore_axis_name="s",
                                  num_cores=NC, num_subcores=NS)
    deg_call = pl.kernel(
        _deg_body,
        out_type=jax.ShapeDtypeStruct((2 * NP,), jnp.float32),
        mesh=mesh,
        scratch_types=[
            pltpu.VMEM((2, CHUNK), jnp.int32),
            pltpu.VMEM((2, CHUNK), jnp.int32),
            pltpu.VMEM((CHUNK,), jnp.int32),
            pltpu.VMEM((CHUNK,), jnp.int32),
            pltpu.VMEM((CHUNK,), jnp.float32),
            pltpu.VMEM((SLICE,), jnp.float32),
            pltpu.SemaphoreType.DMA,
            pltpu.SemaphoreType.DMA,
            pltpu.SemaphoreType.DMA,
            pltpu.SemaphoreType.DMA,
            pltpu.VMEM_SHARED((NP,), jnp.float32),
        ],
    )
    msg_call = pl.kernel(
        _msg_body,
        out_type=[jax.ShapeDtypeStruct((N,), jnp.float32),
                  jax.ShapeDtypeStruct((N,), jnp.float32)],
        mesh=mesh,
        scratch_types=[
            pltpu.VMEM((ECHUNK,), jnp.int32),
            pltpu.VMEM((ECHUNK,), jnp.int32),
            pltpu.VMEM((ECHUNK,), jnp.int32),
            pltpu.VMEM((ECHUNK,), jnp.int32),
            pltpu.VMEM((ECHUNK,), jnp.float32),
            pltpu.VMEM((SLICE,), jnp.float32),
            pltpu.VMEM((SLICE,), jnp.float32),
            pltpu.VMEM((SLICE,), jnp.float32),
            pltpu.VMEM((SLICE,), jnp.float32),
            pltpu.VMEM((SLICE,), jnp.float32),
            pltpu.VMEM((SLICE,), jnp.float32),
            pltpu.VMEM((16,), jnp.float32),
            pltpu.SemaphoreType.DMA,
            pltpu.SemaphoreType.DMA,
            pltpu.VMEM_SHARED((NP,), jnp.float32),
            pltpu.VMEM_SHARED((NP,), jnp.float32),
        ],
    )
    return deg_call, msg_call


def kernel(x, edge_index, num_graphs, W1, b1, Wfc, bfc):
    deg_call, msg_call = _sc_calls()
    x_pad = jnp.pad(x.reshape(N), (0, NP - N))
    w1p = jnp.broadcast_to(W1.reshape(1), (16,))

    edge_flat = edge_index.reshape(2 * E)
    deg_p = deg_call(edge_index)
    u0, u1 = msg_call(edge_flat, x_pad, deg_p, w1p)

    off = (jnp.asarray(num_graphs, jnp.float32) - G_OUT).reshape(1)

    logits = pl.pallas_call(
        _head_body,
        out_shape=jax.ShapeDtypeStruct((G_OUT, 2), jnp.float32),
        in_specs=[pl.BlockSpec(memory_space=pltpu.VMEM)] * 4
        + [pl.BlockSpec(memory_space=pltpu.SMEM)] * 2,
    )(u0.reshape(G_OUT, F), u1.reshape(G_OUT, F), Wfc, bfc.reshape(1, 2),
      b1.reshape(1), off)

    reg = jnp.zeros((0,), jnp.float32)
    return (logits, reg)

# --- scband reference (transcript-rebuilt; emitter-appended) ---
"""Pipeline reference for scband-net-48180943127420 (READ-ONLY COPY).

The authoritative reference and input builder live on the scoring server;
editing this copy changes nothing except your own understanding.
"""

import jax, jax.numpy as jnp
import numpy as np

N = 100000
E = 1600000
G = 2000  # 50 nodes per graph, fc1 = Linear(50, 2)


def setup_inputs(seed: int = 0) -> dict:
    key = jax.random.key(seed)
    k1, k2, k3, k4 = jax.random.split(key, 4)
    x = jax.random.normal(k1, (N, 1), dtype=jnp.float32)
    edge_index = jax.random.randint(k2, (2, E), 0, N, dtype=jnp.int32)
    # GCNConv(1, 1) parameters
    W1 = jax.random.normal(k3, (1, 1), dtype=jnp.float32) * 0.5
    b1 = jnp.zeros((1,), dtype=jnp.float32)
    # fc1 = Linear(50, 2) parameters
    Wfc = jax.random.normal(k4, (50, 2), dtype=jnp.float32) * 0.1
    bfc = jnp.zeros((2,), dtype=jnp.float32)
    return {"x": x, "edge_index": edge_index, "num_graphs": G,
            "W1": W1, "b1": b1, "Wfc": Wfc, "bfc": bfc}


def reference(x, edge_index, num_graphs, W1, b1, Wfc, bfc):
    n = x.shape[0]
    # GCNConv with default add_self_loops=True, normalize=True:
    # out = D^{-1/2} (A + I) D^{-1/2} (x @ W) + b
    loops = jnp.arange(n, dtype=edge_index.dtype)
    src = jnp.concatenate([edge_index[0], loops])
    dst = jnp.concatenate([edge_index[1], loops])
    ones = jnp.ones(src.shape[0], dtype=x.dtype)
    deg = jnp.zeros((n,), dtype=x.dtype).at[dst].add(ones)
    deg_inv_sqrt = jnp.where(deg > 0, 1.0 / jnp.sqrt(deg), 0.0)
    norm = deg_inv_sqrt[src] * deg_inv_sqrt[dst]
    h = x @ W1
    msgs = h[src] * norm[:, None]
    conv_out = jnp.zeros((n, h.shape[1]), dtype=x.dtype).at[dst].add(msgs) + b1
    # x = saved_x.view(num_graphs, -1); x = fc1(x)
    xg = conv_out.reshape(G, -1) + jnp.asarray(num_graphs - G, dtype=x.dtype)
    logits = xg @ Wfc + bfc
    reg = jnp.zeros((0,), dtype=x.dtype)
    return (logits, reg)

if __name__ == "__main__":
    import jax
    _d = setup_inputs()
    print(jax.jit(kernel)(*tuple(_d.values())))

</pallas_src>

<mosaic_0001>
#map = affine_map<(d0, d1) -> (0)>
module attributes {stable_mosaic.version = 14 : i64} {
  func.func @_msg_body(%arg0: i32, %arg1: i32, %arg2: memref<3200000xi32, #tpu.memory_space<hbm>>, %arg3: memref<100096xf32, #tpu.memory_space<hbm>>, %arg4: memref<200192xf32, #tpu.memory_space<hbm>>, %arg5: memref<16xf32, #tpu.memory_space<hbm>>, %arg6: memref<100000xf32, #tpu.memory_space<hbm>>, %arg7: memref<100000xf32, #tpu.memory_space<hbm>>, %arg8: memref<10000xi32, #tpu.memory_space<vmem>>, %arg9: memref<10000xi32, #tpu.memory_space<vmem>>, %arg10: memref<10000xi32, #tpu.memory_space<vmem>>, %arg11: memref<10000xi32, #tpu.memory_space<vmem>>, %arg12: memref<10000xf32, #tpu.memory_space<vmem>>, %arg13: memref<6256xf32, #tpu.memory_space<vmem>>, %arg14: memref<6256xf32, #tpu.memory_space<vmem>>, %arg15: memref<6256xf32, #tpu.memory_space<vmem>>, %arg16: memref<6256xf32, #tpu.memory_space<vmem>>, %arg17: memref<6256xf32, #tpu.memory_space<vmem>>, %arg18: memref<6256xf32, #tpu.memory_space<vmem>>, %arg19: memref<16xf32, #tpu.memory_space<vmem>>, %arg20: memref<!tpu.dma_semaphore, #tpu.memory_space<semaphore_mem>>, %arg21: memref<!tpu.dma_semaphore, #tpu.memory_space<semaphore_mem>>, %arg22: memref<100096xf32, #tpu.memory_space<vmem_shared>>, %arg23: memref<100096xf32, #tpu.memory_space<vmem_shared>>) attributes {dimension_semantics = [#tpu.dimension_semantics<core_parallel>, #tpu.dimension_semantics<subcore_parallel>], iteration_bounds = array<i64: 2, 16>, scalar_prefetch = 0 : i64, scratch_operands = 16 : i64, tpu.core_type = #tpu.core_type<sc_vector_subcore>, window_params = [{transform_indices = #map}, {transform_indices = #map}, {transform_indices = #map}, {transform_indices = #map}, {transform_indices = #map}, {transform_indices = #map}]} {
    %mul3A = arith.constant 2 : i32
    %mul3A_0 = arith.muli %arg1, %mul3A : i32
    %add3A = arith.addi %mul3A_0, %arg0 : i32
    %mul3A_1 = arith.constant 50000 : i32
    %mul3A_2 = arith.muli %add3A, %mul3A_1 : i32
    %mul3A_3 = arith.constant 6256 : i32
    %mul3A_4 = arith.muli %arg1, %mul3A_3 : i32
    %dma_start3A = tpu.memref_slice %arg3[%mul3A_4] : memref<100096xf32, #tpu.memory_space<hbm>> -> memref<6256xf32, #tpu.memory_space<hbm>>
    %dma_start3A_5 = tpu.memref_slice %arg3[%mul3A_4] : memref<100096xf32, #tpu.memory_space<hbm>> -> memref<6256xf32, #tpu.memory_space<hbm>>
    tpu.enqueue_dma source(%dma_start3A_5 : memref<6256xf32, #tpu.memory_space<hbm>>) target(%arg13 : memref<6256xf32, #tpu.memory_space<vmem>>) target_semaphore(%arg20 : memref<!tpu.dma_semaphore, #tpu.memory_space<semaphore_mem>>)
    %mul3A_6 = arith.constant 6256 : i32
    %mul3A_7 = arith.muli %arg1, %mul3A_6 : i32
    %dma_start3A_8 = tpu.memref_slice %arg4[%mul3A_7] : memref<200192xf32, #tpu.memory_space<hbm>> -> memref<6256xf32, #tpu.memory_space<hbm>>
    %dma_start3A_9 = tpu.memref_slice %arg4[%mul3A_7] : memref<200192xf32, #tpu.memory_space<hbm>> -> memref<6256xf32, #tpu.memory_space<hbm>>
    tpu.enqueue_dma source(%dma_start3A_9 : memref<6256xf32, #tpu.memory_space<hbm>>) target(%arg14 : memref<6256xf32, #tpu.memory_space<vmem>>) target_semaphore(%arg20 : memref<!tpu.dma_semaphore, #tpu.memory_space<semaphore_mem>>)
    %mul3A_10 = arith.constant 6256 : i32
    %mul3A_11 = arith.muli %arg1, %mul3A_10 : i32
    %add3A_12 = arith.constant 100096 : i32
    %add3A_13 = arith.addi %add3A_12, %mul3A_11 : i32
    %dma_start3A_14 = tpu.memref_slice %arg4[%add3A_13] : memref<200192xf32, #tpu.memory_space<hbm>> -> memref<6256xf32, #tpu.memory_space<hbm>>
    %dma_start3A_15 = tpu.memref_slice %arg4[%add3A_13] : memref<200192xf32, #tpu.memory_space<hbm>> -> memref<6256xf32, #tpu.memory_space<hbm>>
    tpu.enqueue_dma source(%dma_start3A_15 : memref<6256xf32, #tpu.memory_space<hbm>>) target(%arg15 : memref<6256xf32, #tpu.memory_space<vmem>>) target_semaphore(%arg20 : memref<!tpu.dma_semaphore, #tpu.memory_space<semaphore_mem>>)
    tpu.enqueue_dma source(%arg5 : memref<16xf32, #tpu.memory_space<hbm>>) target(%arg19 : memref<16xf32, #tpu.memory_space<vmem>>) target_semaphore(%arg20 : memref<!tpu.dma_semaphore, #tpu.memory_space<semaphore_mem>>)
    %dma_wait3A = tpu.memref_slice %arg3[%mul3A_4] : memref<100096xf32, #tpu.memory_space<hbm>> -> memref<6256xf32, #tpu.memory_space<hbm>>
    %dma_wait3A_16 = tpu.memref_slice %arg3[%mul3A_4] : memref<100096xf32, #tpu.memory_space<hbm>> -> memref<6256xf32, #tpu.memory_space<hbm>>
    tpu.wait_dma2 semaphore(%arg20 : memref<!tpu.dma_semaphore, #tpu.memory_space<semaphore_mem>>) src(%dma_wait3A_16 : memref<6256xf32, #tpu.memory_space<hbm>>) dst(%arg13 : memref<6256xf32, #tpu.memory_space<vmem>>)
    %mul3A_17 = arith.constant 6256 : i32
    %mul3A_18 = arith.muli %arg1, %mul3A_17 : i32
    %dma_wait3A_19 = tpu.memref_slice %arg4[%mul3A_18] : memref<200192xf32, #tpu.memory_space<hbm>> -> memref<6256xf32, #tpu.memory_space<hbm>>
    %dma_wait3A_20 = tpu.memref_slice %arg4[%mul3A_18] : memref<200192xf32, #tpu.memory_space<hbm>> -> memref<6256xf32, #tpu.memory_space<hbm>>
    tpu.wait_dma2 semaphore(%arg20 : memref<!tpu.dma_semaphore, #tpu.memory_space<semaphore_mem>>) src(%dma_wait3A_20 : memref<6256xf32, #tpu.memory_space<hbm>>) dst(%arg14 : memref<6256xf32, #tpu.memory_space<vmem>>)
    %mul3A_21 = arith.constant 6256 : i32
    %mul3A_22 = arith.muli %arg1, %mul3A_21 : i32
    %add3A_23 = arith.constant 100096 : i32
    %add3A_24 = arith.addi %add3A_23, %mul3A_22 : i32
    %dma_wait3A_25 = tpu.memref_slice %arg4[%add3A_24] : memref<200192xf32, #tpu.memory_space<hbm>> -> memref<6256xf32, #tpu.memory_space<hbm>>
    %dma_wait3A_26 = tpu.memref_slice %arg4[%add3A_24] : memref<200192xf32, #tpu.memory_space<hbm>> -> memref<6256xf32, #tpu.memory_space<hbm>>
    tpu.wait_dma2 semaphore(%arg20 : memref<!tpu.dma_semaphore, #tpu.memory_space<semaphore_mem>>) src(%dma_wait3A_26 : memref<6256xf32, #tpu.memory_space<hbm>>) dst(%arg15 : memref<6256xf32, #tpu.memory_space<vmem>>)
    tpu.wait_dma2 semaphore(%arg20 : memref<!tpu.dma_semaphore, #tpu.memory_space<semaphore_mem>>) src(%arg5 : memref<16xf32, #tpu.memory_space<hbm>>) dst(%arg19 : memref<16xf32, #tpu.memory_space<vmem>>)
    %get3A = arith.constant 0 : index
    %get3A_27 = tpu.vector_load %arg19[%get3A] {strides = array<i32>} : memref<16xf32, #tpu.memory_space<vmem>>, vector<16xf32>,
    %get3A_28 = vector.shape_cast %get3A_27 : vector<16xf32> to vector<16xf32>
    %scan3A = arith.constant 0 : i32
    %scan3A_29 = arith.constant 0 : i32
    %scan3A_30 = arith.constant 391 : i32
    %scan3A_31 = arith.addi %scan3A_29, %scan3A_30 : i32
    %scan3A_32 = arith.constant 1 : i32
    scf.for %scan3A_74 = %scan3A_29 to %scan3A_31 step %scan3A_32  : i32 {
      %mul3A_75 = arith.constant 16 : i32
      %mul3A_76 = arith.muli %scan3A_74, %mul3A_75 : i32
      %get3A_77 = arith.index_cast %mul3A_76 : i32 to index
      %get3A_78 = tpu.vector_load %arg14[%get3A_77] {strides = array<i32>} : memref<6256xf32, #tpu.memory_space<vmem>>, vector<16xf32>,
      %get3A_79 = vector.shape_cast %get3A_78 : vector<16xf32> to vector<16xf32>
      %get3A_80 = arith.index_cast %mul3A_76 : i32 to index
      %get3A_81 = tpu.vector_load %arg15[%get3A_80] {strides = array<i32>} : memref<6256xf32, #tpu.memory_space<vmem>>, vector<16xf32>,
      %get3A_82 = vector.shape_cast %get3A_81 : vector<16xf32> to vector<16xf32>
      %add3A_83 = arith.addf %get3A_79, %get3A_82 : vector<16xf32>
      %add3A_84 = arith.constant 1.000000e+00 : f32
      %add3A_85 = vector.broadcast %add3A_84 : f32 to vector<16xf32>
      %add3A_86 = arith.addf %add3A_83, %add3A_85 : vector<16xf32>
      %bitcast_convert_type3A = tpu.bitcast %add3A_86 : vector<16xf32> -> vector<16xi32>
      %broadcast_in_dim3A = arith.constant 1597463007 : i32
      %broadcast_in_dim3A_87 = vector.broadcast %broadcast_in_dim3A : i32 to vector<16xi32>
      %broadcast_in_dim3A_88 = arith.constant 1 : i32
      %broadcast_in_dim3A_89 = vector.broadcast %broadcast_in_dim3A_88 : i32 to vector<16xi32>
      %shift_right_logical3A = arith.shrui %bitcast_convert_type3A, %broadcast_in_dim3A_89 : vector<16xi32>
      %sub3A = arith.subi %broadcast_in_dim3A_87, %shift_right_logical3A : vector<16xi32>
      %bitcast_convert_type3A_90 = tpu.bitcast %sub3A : vector<16xi32> -> vector<16xf32>
      %mul3A_91 = arith.constant 5.000000e-01 : f32
      %mul3A_92 = vector.broadcast %mul3A_91 : f32 to vector<16xf32>
      %mul3A_93 = arith.mulf %mul3A_92, %add3A_86 : vector<16xf32>
      %mul3A_94 = arith.mulf %mul3A_93, %bitcast_convert_type3A_90 : vector<16xf32>
      %mul3A_95 = arith.mulf %mul3A_94, %bitcast_convert_type3A_90 : vector<16xf32>
      %sub3A_96 = arith.constant 1.500000e+00 : f32
      %sub3A_97 = vector.broadcast %sub3A_96 : f32 to vector<16xf32>
      %sub3A_98 = arith.subf %sub3A_97, %mul3A_95 : vector<16xf32>
      %mul3A_99 = arith.mulf %bitcast_convert_type3A_90, %sub3A_98 : vector<16xf32>
      %mul3A_100 = arith.constant 5.000000e-01 : f32
      %mul3A_101 = vector.broadcast %mul3A_100 : f32 to vector<16xf32>
      %mul3A_102 = arith.mulf %mul3A_101, %add3A_86 : vector<16xf32>
      %mul3A_103 = arith.mulf %mul3A_102, %mul3A_99 : vector<16xf32>
      %mul3A_104 = arith.mulf %mul3A_103, %mul3A_99 : vector<16xf32>
      %sub3A_105 = arith.constant 1.500000e+00 : f32
      %sub3A_106 = vector.broadcast %sub3A_105 : f32 to vector<16xf32>
      %sub3A_107 = arith.subf %sub3A_106, %mul3A_104 : vector<16xf32>
      %mul3A_108 = arith.mulf %mul3A_99, %sub3A_107 : vector<16xf32>
      %mul3A_109 = arith.constant 5.000000e-01 : f32
      %mul3A_110 = vector.broadcast %mul3A_109 : f32 to vector<16xf32>
      %mul3A_111 = arith.mulf %mul3A_110, %add3A_86 : vector<16xf32>
      %mul3A_112 = arith.mulf %mul3A_111, %mul3A_108 : vector<16xf32>
      %mul3A_113 = arith.mulf %mul3A_112, %mul3A_108 : vector<16xf32>
      %sub3A_114 = arith.constant 1.500000e+00 : f32
      %sub3A_115 = vector.broadcast %sub3A_114 : f32 to vector<16xf32>
      %sub3A_116 = arith.subf %sub3A_115, %mul3A_113 : vector<16xf32>
      %mul3A_117 = arith.mulf %mul3A_108, %sub3A_116 : vector<16xf32>
      %swap3A = arith.index_cast %mul3A_76 : i32 to index
      %swap3A_118 = tpu.vector_load %arg17[%swap3A] {strides = array<i32>} : memref<6256xf32, #tpu.memory_space<vmem>>, vector<16xf32>,
      %swap3A_119 = vector.shape_cast %swap3A_118 : vector<16xf32> to vector<16xf32>
      %swap3A_120 = vector.shape_cast %mul3A_117 : vector<16xf32> to vector<16xf32>
      tpu.vector_store %arg17[%swap3A], %swap3A_120 {strides = array<i32>} : memref<6256xf32, #tpu.memory_space<vmem>>, vector<16xf32>,
      %get3A_121 = arith.index_cast %mul3A_76 : i32 to index
      %get3A_122 = tpu.vector_load %arg13[%get3A_121] {strides = array<i32>} : memref<6256xf32, #tpu.memory_space<vmem>>, vector<16xf32>,
      %get3A_123 = vector.shape_cast %get3A_122 : vector<16xf32> to vector<16xf32>
      %mul3A_124 = arith.mulf %get3A_123, %mul3A_117 : vector<16xf32>
      %mul3A_125 = arith.mulf %mul3A_124, %get3A_28 : vector<16xf32>
      %swap3A_126 = arith.index_cast %mul3A_76 : i32 to index
      %swap3A_127 = tpu.vector_load %arg16[%swap3A_126] {strides = array<i32>} : memref<6256xf32, #tpu.memory_space<vmem>>, vector<16xf32>,
      %swap3A_128 = vector.shape_cast %swap3A_127 : vector<16xf32> to vector<16xf32>
      %swap3A_129 = vector.shape_cast %mul3A_125 : vector<16xf32> to vector<16xf32>
      tpu.vector_store %arg16[%swap3A_126], %swap3A_129 {strides = array<i32>} : memref<6256xf32, #tpu.memory_space<vmem>>, vector<16xf32>,
    }
    %scan3A_33 = arith.constant 391 : i32
    "tpu.region"() ({
      %run_scoped3A = tpu.sem_alloc : memref<!tpu.dma_semaphore, #tpu.memory_space<semaphore_mem>>
      %dma_start3A_74 = tpu.memref_slice %arg22[%mul3A_4] : memref<100096xf32, #tpu.memory_space<vmem_shared>> -> memref<6256xf32, #tpu.memory_space<vmem_shared>>
      %dma_start3A_75 = tpu.memref_slice %arg22[%mul3A_4] : memref<100096xf32, #tpu.memory_space<vmem_shared>> -> memref<6256xf32, #tpu.memory_space<vmem_shared>>
      tpu.enqueue_dma source(%arg16 : memref<6256xf32, #tpu.memory_space<vmem>>) target(%dma_start3A_75 : memref<6256xf32, #tpu.memory_space<vmem_shared>>) target_semaphore(%run_scoped3A : memref<!tpu.dma_semaphore, #tpu.memory_space<semaphore_mem>>)
      %dma_wait3A_76 = tpu.memref_slice %arg22[%mul3A_4] : memref<100096xf32, #tpu.memory_space<vmem_shared>> -> memref<6256xf32, #tpu.memory_space<vmem_shared>>
      %dma_wait3A_77 = tpu.memref_slice %arg22[%mul3A_4] : memref<100096xf32, #tpu.memory_space<vmem_shared>> -> memref<6256xf32, #tpu.memory_space<vmem_shared>>
      tpu.wait_dma2 semaphore(%run_scoped3A : memref<!tpu.dma_semaphore, #tpu.memory_space<semaphore_mem>>) src(%arg16 : memref<6256xf32, #tpu.memory_space<vmem>>) dst(%dma_wait3A_77 : memref<6256xf32, #tpu.memory_space<vmem_shared>>)
      tpu.yield
    }) : () -> ()
    %scan3A_34 = arith.constant 0 : i32
    %scan3A_35 = arith.constant 0 : i32
    %scan3A_36 = arith.constant 391 : i32
    %scan3A_37 = arith.addi %scan3A_35, %scan3A_36 : i32
    %scan3A_38 = arith.constant 1 : i32
    scf.for %scan3A_74 = %scan3A_35 to %scan3A_37 step %scan3A_38  : i32 {
      %broadcast_in_dim3A = arith.constant 0.000000e+00 : f32
      %broadcast_in_dim3A_75 = vector.broadcast %broadcast_in_dim3A : f32 to vector<16xf32>
      %mul3A_76 = arith.constant 16 : i32
      %mul3A_77 = arith.muli %scan3A_74, %mul3A_76 : i32
      %swap3A = arith.index_cast %mul3A_77 : i32 to index
      %swap3A_78 = tpu.vector_load %arg18[%swap3A] {strides = array<i32>} : memref<6256xf32, #tpu.memory_space<vmem>>, vector<16xf32>,
      %swap3A_79 = vector.shape_cast %swap3A_78 : vector<16xf32> to vector<16xf32>
      %swap3A_80 = vector.shape_cast %broadcast_in_dim3A_75 : vector<16xf32> to vector<16xf32>
      tpu.vector_store %arg18[%swap3A], %swap3A_80 {strides = array<i32>} : memref<6256xf32, #tpu.memory_space<vmem>>, vector<16xf32>,
    }
    %scan3A_39 = arith.constant 391 : i32
    "tpu.region"() ({
      %run_scoped3A = tpu.sem_alloc : memref<!tpu.dma_semaphore, #tpu.memory_space<semaphore_mem>>
      %dma_start3A_74 = tpu.memref_slice %arg23[%mul3A_4] : memref<100096xf32, #tpu.memory_space<vmem_shared>> -> memref<6256xf32, #tpu.memory_space<vmem_shared>>
      %dma_start3A_75 = tpu.memref_slice %arg23[%mul3A_4] : memref<100096xf32, #tpu.memory_space<vmem_shared>> -> memref<6256xf32, #tpu.memory_space<vmem_shared>>
      tpu.enqueue_dma source(%arg18 : memref<6256xf32, #tpu.memory_space<vmem>>) target(%dma_start3A_75 : memref<6256xf32, #tpu.memory_space<vmem_shared>>) target_semaphore(%run_scoped3A : memref<!tpu.dma_semaphore, #tpu.memory_space<semaphore_mem>>)
      %dma_wait3A_76 = tpu.memref_slice %arg23[%mul3A_4] : memref<100096xf32, #tpu.memory_space<vmem_shared>> -> memref<6256xf32, #tpu.memory_space<vmem_shared>>
      %dma_wait3A_77 = tpu.memref_slice %arg23[%mul3A_4] : memref<100096xf32, #tpu.memory_space<vmem_shared>> -> memref<6256xf32, #tpu.memory_space<vmem_shared>>
      tpu.wait_dma2 semaphore(%run_scoped3A : memref<!tpu.dma_semaphore, #tpu.memory_space<semaphore_mem>>) src(%arg18 : memref<6256xf32, #tpu.memory_space<vmem>>) dst(%dma_wait3A_77 : memref<6256xf32, #tpu.memory_space<vmem_shared>>)
      tpu.yield
    }) : () -> ()
    %barrier3A = arith.constant 0 : index
    tpu.barrier barrier_id(%barrier3A)
    %add3A_40 = arith.constant 0 : i32
    %add3A_41 = arith.addi %mul3A_2, %add3A_40 : i32
    %dma_start3A_42 = tpu.memref_slice %arg2[%add3A_41] : memref<3200000xi32, #tpu.memory_space<hbm>> -> memref<10000xi32, #tpu.memory_space<hbm>>
    %dma_start3A_43 = tpu.memref_slice %arg2[%add3A_41] : memref<3200000xi32, #tpu.memory_space<hbm>> -> memref<10000xi32, #tpu.memory_space<hbm>>
    tpu.enqueue_dma source(%dma_start3A_43 : memref<10000xi32, #tpu.memory_space<hbm>>) target(%arg8 : memref<10000xi32, #tpu.memory_space<vmem>>) target_semaphore(%arg20 : memref<!tpu.dma_semaphore, #tpu.memory_space<semaphore_mem>>)
    %add3A_44 = arith.constant 1600000 : i32
    %add3A_45 = arith.addi %add3A_44, %mul3A_2 : i32
    %add3A_46 = arith.constant 0 : i32
    %add3A_47 = arith.addi %add3A_45, %add3A_46 : i32
    %dma_start3A_48 = tpu.memref_slice %arg2[%add3A_47] : memref<3200000xi32, #tpu.memory_space<hbm>> -> memref<10000xi32, #tpu.memory_space<hbm>>
    %dma_start3A_49 = tpu.memref_slice %arg2[%add3A_47] : memref<3200000xi32, #tpu.memory_space<hbm>> -> memref<10000xi32, #tpu.memory_space<hbm>>
    tpu.enqueue_dma source(%dma_start3A_49 : memref<10000xi32, #tpu.memory_space<hbm>>) target(%arg10 : memref<10000xi32, #tpu.memory_space<vmem>>) target_semaphore(%arg20 : memref<!tpu.dma_semaphore, #tpu.memory_space<semaphore_mem>>)
    %scan3A_50 = arith.constant 0 : i32
    %scan3A_51 = arith.constant 0 : i32
    %scan3A_52 = arith.constant 2 : i32
    %scan3A_53 = arith.addi %scan3A_51, %scan3A_52 : i32
    %scan3A_54 = arith.constant 1 : i32
    scf.for %scan3A_74 = %scan3A_51 to %scan3A_53 step %scan3A_54  : i32 {
      %mul3A_75 = arith.constant 2 : i32
      %mul3A_76 = arith.muli %mul3A_75, %scan3A_74 : i32
      %add3A_77 = arith.constant 1 : i32
      %add3A_78 = arith.addi %mul3A_76, %add3A_77 : i32
      %mul3A_79 = arith.constant 10000 : i32
      %mul3A_80 = arith.muli %add3A_78, %mul3A_79 : i32
      %add3A_81 = arith.addi %mul3A_2, %mul3A_80 : i32
      %dma_start3A_82 = tpu.memref_slice %arg2[%add3A_81] : memref<3200000xi32, #tpu.memory_space<hbm>> -> memref<10000xi32, #tpu.memory_space<hbm>>
      %dma_start3A_83 = tpu.memref_slice %arg2[%add3A_81] : memref<3200000xi32, #tpu.memory_space<hbm>> -> memref<10000xi32, #tpu.memory_space<hbm>>
      tpu.enqueue_dma source(%dma_start3A_83 : memref<10000xi32, #tpu.memory_space<hbm>>) target(%arg9 : memref<10000xi32, #tpu.memory_space<vmem>>) target_semaphore(%arg21 : memref<!tpu.dma_semaphore, #tpu.memory_space<semaphore_mem>>)
      %add3A_84 = arith.constant 1600000 : i32
      %add3A_85 = arith.addi %add3A_84, %mul3A_2 : i32
      %mul3A_86 = arith.constant 10000 : i32
      %mul3A_87 = arith.muli %add3A_78, %mul3A_86 : i32
      %add3A_88 = arith.addi %add3A_85, %mul3A_87 : i32
      %dma_start3A_89 = tpu.memref_slice %arg2[%add3A_88] : memref<3200000xi32, #tpu.memory_space<hbm>> -> memref<10000xi32, #tpu.memory_space<hbm>>
      %dma_start3A_90 = tpu.memref_slice %arg2[%add3A_88] : memref<3200000xi32, #tpu.memory_space<hbm>> -> memref<10000xi32, #tpu.memory_space<hbm>>
      tpu.enqueue_dma source(%dma_start3A_90 : memref<10000xi32, #tpu.memory_space<hbm>>) target(%arg11 : memref<10000xi32, #tpu.memory_space<vmem>>) target_semaphore(%arg21 : memref<!tpu.dma_semaphore, #tpu.memory_space<semaphore_mem>>)
      %dma_wait3A_91 = tpu.memref_slice %arg2[%mul3A_2] : memref<3200000xi32, #tpu.memory_space<hbm>> -> memref<10000xi32, #tpu.memory_space<hbm>>
      %dma_wait3A_92 = tpu.memref_slice %arg2[%mul3A_2] : memref<3200000xi32, #tpu.memory_space<hbm>> -> memref<10000xi32, #tpu.memory_space<hbm>>
      tpu.wait_dma2 semaphore(%arg20 : memref<!tpu.dma_semaphore, #tpu.memory_space<semaphore_mem>>) src(%dma_wait3A_92 : memref<10000xi32, #tpu.memory_space<hbm>>) dst(%arg8 : memref<10000xi32, #tpu.memory_space<vmem>>)
      %dma_wait3A_93 = tpu.memref_slice %arg2[%mul3A_2] : memref<3200000xi32, #tpu.memory_space<hbm>> -> memref<10000xi32, #tpu.memory_space<hbm>>
      %dma_wait3A_94 = tpu.memref_slice %arg2[%mul3A_2] : memref<3200000xi32, #tpu.memory_space<hbm>> -> memref<10000xi32, #tpu.memory_space<hbm>>
      tpu.wait_dma2 semaphore(%arg20 : memref<!tpu.dma_semaphore, #tpu.memory_space<semaphore_mem>>) src(%dma_wait3A_94 : memref<10000xi32, #tpu.memory_space<hbm>>) dst(%arg10 : memref<10000xi32, #tpu.memory_space<vmem>>)
      "tpu.region"() ({
        %run_scoped3A = tpu.sem_alloc : memref<!tpu.dma_semaphore, #tpu.memory_space<semaphore_mem>>
        %dma_start3A_115 = arith.constant 0 : i32
        %dma_start3A_116 = tpu.memref_slice %arg22[%dma_start3A_115] : memref<100096xf32, #tpu.memory_space<vmem_shared>> -> memref<100096xf32, #tpu.memory_space<vmem_shared>>
        tpu.enqueue_indirect_dma source(%dma_start3A_116 : memref<100096xf32, #tpu.memory_space<vmem_shared>>) target(%arg12 : memref<10000xf32, #tpu.memory_space<vmem>>) offsets(%arg8 : memref<10000xi32, #tpu.memory_space<vmem>>) semaphore(%run_scoped3A : memref<!tpu.dma_semaphore, #tpu.memory_space<semaphore_mem>>)
        %dma_wait3A_117 = arith.constant 0 : i32
        %dma_wait3A_118 = tpu.memref_slice %arg22[%dma_wait3A_117] : memref<100096xf32, #tpu.memory_space<vmem_shared>> -> memref<100096xf32, #tpu.memory_space<vmem_shared>>
        tpu.wait_indirect_dma semaphore(%run_scoped3A : memref<!tpu.dma_semaphore, #tpu.memory_space<semaphore_mem>>) src(%dma_wait3A_118 : memref<100096xf32, #tpu.memory_space<vmem_shared>>) dst(%arg12 : memref<10000xf32, #tpu.memory_space<vmem>>)
        tpu.yield
      }) : () -> ()
      "tpu.region"() ({
        %run_scoped3A = tpu.sem_alloc : memref<!tpu.dma_semaphore, #tpu.memory_space<semaphore_mem>>
        %dma_start3A_115 = arith.constant 0 : i32
        %dma_start3A_116 = tpu.memref_slice %arg23[%dma_start3A_115] : memref<100096xf32, #tpu.memory_space<vmem_shared>> -> memref<100096xf32, #tpu.memory_space<vmem_shared>>
        tpu.enqueue_indirect_dma source(%arg12 : memref<10000xf32, #tpu.memory_space<vmem>>) target(%dma_start3A_116 : memref<100096xf32, #tpu.memory_space<vmem_shared>>) offsets(%arg10 : memref<10000xi32, #tpu.memory_space<vmem>>) semaphore(%run_scoped3A : memref<!tpu.dma_semaphore, #tpu.memory_space<semaphore_mem>>) {add = true}
        %dma_wait3A_117 = arith.constant 0 : i32
        %dma_wait3A_118 = tpu.memref_slice %arg23[%dma_wait3A_117] : memref<100096xf32, #tpu.memory_space<vmem_shared>> -> memref<100096xf32, #tpu.memory_space<vmem_shared>>
        tpu.wait_indirect_dma semaphore(%run_scoped3A : memref<!tpu.dma_semaphore, #tpu.memory_space<semaphore_mem>>) src(%arg12 : memref<10000xf32, #tpu.memory_space<vmem>>) dst(%dma_wait3A_118 : memref<100096xf32, #tpu.memory_space<vmem_shared>>)
        tpu.yield
      }) : () -> ()
      %mul3A_95 = arith.constant 2 : i32
      %mul3A_96 = arith.muli %mul3A_95, %scan3A_74 : i32
      %add3A_97 = arith.constant 2 : i32
      %add3A_98 = arith.addi %mul3A_96, %add3A_97 : i32
      %mul3A_99 = arith.constant 10000 : i32
      %mul3A_100 = arith.muli %add3A_98, %mul3A_99 : i32
      %add3A_101 = arith.addi %mul3A_2, %mul3A_100 : i32
      %dma_start3A_102 = tpu.memref_slice %arg2[%add3A_101] : memref<3200000xi32, #tpu.memory_space<hbm>> -> memref<10000xi32, #tpu.memory_space<hbm>>
      %dma_start3A_103 = tpu.memref_slice %arg2[%add3A_101] : memref<3200000xi32, #tpu.memory_space<hbm>> -> memref<10000xi32, #tpu.memory_space<hbm>>
      tpu.enqueue_dma source(%dma_start3A_103 : memref<10000xi32, #tpu.memory_space<hbm>>) target(%arg8 : memref<10000xi32, #tpu.memory_space<vmem>>) target_semaphore(%arg20 : memref<!tpu.dma_semaphore, #tpu.memory_space<semaphore_mem>>)
      %add3A_104 = arith.constant 1600000 : i32
      %add3A_105 = arith.addi %add3A_104, %mul3A_2 : i32
      %mul3A_106 = arith.constant 10000 : i32
      %mul3A_107 = arith.muli %add3A_98, %mul3A_106 : i32
      %add3A_108 = arith.addi %add3A_105, %mul3A_107 : i32
      %dma_start3A_109 = tpu.memref_slice %arg2[%add3A_108] : memref<3200000xi32, #tpu.memory_space<hbm>> -> memref<10000xi32, #tpu.memory_space<hbm>>
      %dma_start3A_110 = tpu.memref_slice %arg2[%add3A_108] : memref<3200000xi32, #tpu.memory_space<hbm>> -> memref<10000xi32, #tpu.memory_space<hbm>>
      tpu.enqueue_dma source(%dma_start3A_110 : memref<10000xi32, #tpu.memory_space<hbm>>) target(%arg10 : memref<10000xi32, #tpu.memory_space<vmem>>) target_semaphore(%arg20 : memref<!tpu.dma_semaphore, #tpu.memory_space<semaphore_mem>>)
      %dma_wait3A_111 = tpu.memref_slice %arg2[%mul3A_2] : memref<3200000xi32, #tpu.memory_space<hbm>> -> memref<10000xi32, #tpu.memory_space<hbm>>
      %dma_wait3A_112 = tpu.memref_slice %arg2[%mul3A_2] : memref<3200000xi32, #tpu.memory_space<hbm>> -> memref<10000xi32, #tpu.memory_space<hbm>>
      tpu.wait_dma2 semaphore(%arg21 : memref<!tpu.dma_semaphore, #tpu.memory_space<semaphore_mem>>) src(%dma_wait3A_112 : memref<10000xi32, #tpu.memory_space<hbm>>) dst(%arg9 : memref<10000xi32, #tpu.memory_space<vmem>>)
      %dma_wait3A_113 = tpu.memref_slice %arg2[%mul3A_2] : memref<3200000xi32, #tpu.memory_space<hbm>> -> memref<10000xi32, #tpu.memory_space<hbm>>
      %dma_wait3A_114 = tpu.memref_slice %arg2[%mul3A_2] : memref<3200000xi32, #tpu.memory_space<hbm>> -> memref<10000xi32, #tpu.memory_space<hbm>>
      tpu.wait_dma2 semaphore(%arg21 : memref<!tpu.dma_semaphore, #tpu.memory_space<semaphore_mem>>) src(%dma_wait3A_114 : memref<10000xi32, #tpu.memory_space<hbm>>) dst(%arg11 : memref<10000xi32, #tpu.memory_space<vmem>>)
      "tpu.region"() ({
        %run_scoped3A = tpu.sem_alloc : memref<!tpu.dma_semaphore, #tpu.memory_space<semaphore_mem>>
        %dma_start3A_115 = arith.constant 0 : i32
        %dma_start3A_116 = tpu.memref_slice %arg22[%dma_start3A_115] : memref<100096xf32, #tpu.memory_space<vmem_shared>> -> memref<100096xf32, #tpu.memory_space<vmem_shared>>
        tpu.enqueue_indirect_dma source(%dma_start3A_116 : memref<100096xf32, #tpu.memory_space<vmem_shared>>) target(%arg12 : memref<10000xf32, #tpu.memory_space<vmem>>) offsets(%arg9 : memref<10000xi32, #tpu.memory_space<vmem>>) semaphore(%run_scoped3A : memref<!tpu.dma_semaphore, #tpu.memory_space<semaphore_mem>>)
        %dma_wait3A_117 = arith.constant 0 : i32
        %dma_wait3A_118 = tpu.memref_slice %arg22[%dma_wait3A_117] : memref<100096xf32, #tpu.memory_space<vmem_shared>> -> memref<100096xf32, #tpu.memory_space<vmem_shared>>
        tpu.wait_indirect_dma semaphore(%run_scoped3A : memref<!tpu.dma_semaphore, #tpu.memory_space<semaphore_mem>>) src(%dma_wait3A_118 : memref<100096xf32, #tpu.memory_space<vmem_shared>>) dst(%arg12 : memref<10000xf32, #tpu.memory_space<vmem>>)
        tpu.yield
      }) : () -> ()
      "tpu.region"() ({
        %run_scoped3A = tpu.sem_alloc : memref<!tpu.dma_semaphore, #tpu.memory_space<semaphore_mem>>
        %dma_start3A_115 = arith.constant 0 : i32
        %dma_start3A_116 = tpu.memref_slice %arg23[%dma_start3A_115] : memref<100096xf32, #tpu.memory_space<vmem_shared>> -> memref<100096xf32, #tpu.memory_space<vmem_shared>>
        tpu.enqueue_indirect_dma source(%arg12 : memref<10000xf32, #tpu.memory_space<vmem>>) target(%dma_start3A_116 : memref<100096xf32, #tpu.memory_space<vmem_shared>>) offsets(%arg11 : memref<10000xi32, #tpu.memory_space<vmem>>) semaphore(%run_scoped3A : memref<!tpu.dma_semaphore, #tpu.memory_space<semaphore_mem>>) {add = true}
        %dma_wait3A_117 = arith.constant 0 : i32
        %dma_wait3A_118 = tpu.memref_slice %arg23[%dma_wait3A_117] : memref<100096xf32, #tpu.memory_space<vmem_shared>> -> memref<100096xf32, #tpu.memory_space<vmem_shared>>
        tpu.wait_indirect_dma semaphore(%run_scoped3A : memref<!tpu.dma_semaphore, #tpu.memory_space<semaphore_mem>>) src(%arg12 : memref<10000xf32, #tpu.memory_space<vmem>>) dst(%dma_wait3A_118 : memref<100096xf32, #tpu.memory_space<vmem_shared>>)
        tpu.yield
      }) : () -> ()
    }
    %scan3A_55 = arith.constant 2 : i32
    %dma_wait3A_56 = tpu.memref_slice %arg2[%mul3A_2] : memref<3200000xi32, #tpu.memory_space<hbm>> -> memref<10000xi32, #tpu.memory_space<hbm>>
    %dma_wait3A_57 = tpu.memref_slice %arg2[%mul3A_2] : memref<3200000xi32, #tpu.memory_space<hbm>> -> memref<10000xi32, #tpu.memory_space<hbm>>
    tpu.wait_dma2 semaphore(%arg20 : memref<!tpu.dma_semaphore, #tpu.memory_space<semaphore_mem>>) src(%dma_wait3A_57 : memref<10000xi32, #tpu.memory_space<hbm>>) dst(%arg8 : memref<10000xi32, #tpu.memory_space<vmem>>)
    %dma_wait3A_58 = tpu.memref_slice %arg2[%mul3A_2] : memref<3200000xi32, #tpu.memory_space<hbm>> -> memref<10000xi32, #tpu.memory_space<hbm>>
    %dma_wait3A_59 = tpu.memref_slice %arg2[%mul3A_2] : memref<3200000xi32, #tpu.memory_space<hbm>> -> memref<10000xi32, #tpu.memory_space<hbm>>
    tpu.wait_dma2 semaphore(%arg20 : memref<!tpu.dma_semaphore, #tpu.memory_space<semaphore_mem>>) src(%dma_wait3A_59 : memref<10000xi32, #tpu.memory_space<hbm>>) dst(%arg10 : memref<10000xi32, #tpu.memory_space<vmem>>)
    "tpu.region"() ({
      %run_scoped3A = tpu.sem_alloc : memref<!tpu.dma_semaphore, #tpu.memory_space<semaphore_mem>>
      %dma_start3A_74 = arith.constant 0 : i32
      %dma_start3A_75 = tpu.memref_slice %arg22[%dma_start3A_74] : memref<100096xf32, #tpu.memory_space<vmem_shared>> -> memref<100096xf32, #tpu.memory_space<vmem_shared>>
      tpu.enqueue_indirect_dma source(%dma_start3A_75 : memref<100096xf32, #tpu.memory_space<vmem_shared>>) target(%arg12 : memref<10000xf32, #tpu.memory_space<vmem>>) offsets(%arg8 : memref<10000xi32, #tpu.memory_space<vmem>>) semaphore(%run_scoped3A : memref<!tpu.dma_semaphore, #tpu.memory_space<semaphore_mem>>)
      %dma_wait3A_76 = arith.constant 0 : i32
      %dma_wait3A_77 = tpu.memref_slice %arg22[%dma_wait3A_76] : memref<100096xf32, #tpu.memory_space<vmem_shared>> -> memref<100096xf32, #tpu.memory_space<vmem_shared>>
      tpu.wait_indirect_dma semaphore(%run_scoped3A : memref<!tpu.dma_semaphore, #tpu.memory_space<semaphore_mem>>) src(%dma_wait3A_77 : memref<100096xf32, #tpu.memory_space<vmem_shared>>) dst(%arg12 : memref<10000xf32, #tpu.memory_space<vmem>>)
      tpu.yield
    }) : () -> ()
    "tpu.region"() ({
      %run_scoped3A = tpu.sem_alloc : memref<!tpu.dma_semaphore, #tpu.memory_space<semaphore_mem>>
      %dma_start3A_74 = arith.constant 0 : i32
      %dma_start3A_75 = tpu.memref_slice %arg23[%dma_start3A_74] : memref<100096xf32, #tpu.memory_space<vmem_shared>> -> memref<100096xf32, #tpu.memory_space<vmem_shared>>
      tpu.enqueue_indirect_dma source(%arg12 : memref<10000xf32, #tpu.memory_space<vmem>>) target(%dma_start3A_75 : memref<100096xf32, #tpu.memory_space<vmem_shared>>) offsets(%arg10 : memref<10000xi32, #tpu.memory_space<vmem>>) semaphore(%run_scoped3A : memref<!tpu.dma_semaphore, #tpu.memory_space<semaphore_mem>>) {add = true}
      %dma_wait3A_76 = arith.constant 0 : i32
      %dma_wait3A_77 = tpu.memref_slice %arg23[%dma_wait3A_76] : memref<100096xf32, #tpu.memory_space<vmem_shared>> -> memref<100096xf32, #tpu.memory_space<vmem_shared>>
      tpu.wait_indirect_dma semaphore(%run_scoped3A : memref<!tpu.dma_semaphore, #tpu.memory_space<semaphore_mem>>) src(%arg12 : memref<10000xf32, #tpu.memory_space<vmem>>) dst(%dma_wait3A_77 : memref<100096xf32, #tpu.memory_space<vmem_shared>>)
      tpu.yield
    }) : () -> ()
    %barrier3A_60 = arith.constant 0 : index
    tpu.barrier barrier_id(%barrier3A_60)
    "tpu.region"() ({
      %run_scoped3A = tpu.sem_alloc : memref<!tpu.dma_semaphore, #tpu.memory_space<semaphore_mem>>
      %dma_start3A_74 = tpu.memref_slice %arg23[%mul3A_4] : memref<100096xf32, #tpu.memory_space<vmem_shared>> -> memref<6256xf32, #tpu.memory_space<vmem_shared>>
      %dma_start3A_75 = tpu.memref_slice %arg23[%mul3A_4] : memref<100096xf32, #tpu.memory_space<vmem_shared>> -> memref<6256xf32, #tpu.memory_space<vmem_shared>>
      tpu.enqueue_dma source(%dma_start3A_75 : memref<6256xf32, #tpu.memory_space<vmem_shared>>) target(%arg14 : memref<6256xf32, #tpu.memory_space<vmem>>) target_semaphore(%run_scoped3A : memref<!tpu.dma_semaphore, #tpu.memory_space<semaphore_mem>>)
      %dma_wait3A_76 = tpu.memref_slice %arg23[%mul3A_4] : memref<100096xf32, #tpu.memory_space<vmem_shared>> -> memref<6256xf32, #tpu.memory_space<vmem_shared>>
      %dma_wait3A_77 = tpu.memref_slice %arg23[%mul3A_4] : memref<100096xf32, #tpu.memory_space<vmem_shared>> -> memref<6256xf32, #tpu.memory_space<vmem_shared>>
      tpu.wait_dma2 semaphore(%run_scoped3A : memref<!tpu.dma_semaphore, #tpu.memory_space<semaphore_mem>>) src(%dma_wait3A_77 : memref<6256xf32, #tpu.memory_space<vmem_shared>>) dst(%arg14 : memref<6256xf32, #tpu.memory_space<vmem>>)
      tpu.yield
    }) : () -> ()
    %scan3A_61 = arith.constant 0 : i32
    %scan3A_62 = arith.constant 0 : i32
    %scan3A_63 = arith.constant 391 : i32
    %scan3A_64 = arith.addi %scan3A_62, %scan3A_63 : i32
    %scan3A_65 = arith.constant 1 : i32
    scf.for %scan3A_74 = %scan3A_62 to %scan3A_64 step %scan3A_65  : i32 {
      %mul3A_75 = arith.constant 16 : i32
      %mul3A_76 = arith.muli %scan3A_74, %mul3A_75 : i32
      %get3A_77 = arith.index_cast %mul3A_76 : i32 to index
      %get3A_78 = tpu.vector_load %arg17[%get3A_77] {strides = array<i32>} : memref<6256xf32, #tpu.memory_space<vmem>>, vector<16xf32>,
      %get3A_79 = vector.shape_cast %get3A_78 : vector<16xf32> to vector<16xf32>
      %get3A_80 = arith.index_cast %mul3A_76 : i32 to index
      %get3A_81 = tpu.vector_load %arg14[%get3A_80] {strides = array<i32>} : memref<6256xf32, #tpu.memory_space<vmem>>, vector<16xf32>,
      %get3A_82 = vector.shape_cast %get3A_81 : vector<16xf32> to vector<16xf32>
      %get3A_83 = arith.index_cast %mul3A_76 : i32 to index
      %get3A_84 = tpu.vector_load %arg16[%get3A_83] {strides = array<i32>} : memref<6256xf32, #tpu.memory_space<vmem>>, vector<16xf32>,
      %get3A_85 = vector.shape_cast %get3A_84 : vector<16xf32> to vector<16xf32>
      %mul3A_86 = arith.constant 5.000000e-01 : f32
      %mul3A_87 = vector.broadcast %mul3A_86 : f32 to vector<16xf32>
      %mul3A_88 = arith.mulf %mul3A_87, %get3A_85 : vector<16xf32>
      %add3A_89 = arith.addf %get3A_82, %mul3A_88 : vector<16xf32>
      %mul3A_90 = arith.mulf %get3A_79, %add3A_89 : vector<16xf32>
      %swap3A = arith.index_cast %mul3A_76 : i32 to index
      %swap3A_91 = tpu.vector_load %arg14[%swap3A] {strides = array<i32>} : memref<6256xf32, #tpu.memory_space<vmem>>, vector<16xf32>,
      %swap3A_92 = vector.shape_cast %swap3A_91 : vector<16xf32> to vector<16xf32>
      %swap3A_93 = vector.shape_cast %mul3A_90 : vector<16xf32> to vector<16xf32>
      tpu.vector_store %arg14[%swap3A], %swap3A_93 {strides = array<i32>} : memref<6256xf32, #tpu.memory_space<vmem>>, vector<16xf32>,
    }
    %scan3A_66 = arith.constant 391 : i32
    %eq3A = arith.constant 0 : i32
    %eq3A_67 = arith.cmpi eq, %arg0, %eq3A : i32
    %convert_element_type3A = arith.extui %eq3A_67 : i1 to i32
    %cond3A = arith.constant 0 : i32
    %cond3A_68 = arith.cmpi ne, %convert_element_type3A, %cond3A : i32
    scf.if %cond3A_68 {
      %lt3A = arith.constant 15 : i32
      %lt3A_74 = arith.cmpi slt, %arg1, %lt3A : i32
      %convert_element_type3A_75 = arith.extui %lt3A_74 : i1 to i32
      %cond3A_76 = arith.constant 0 : i32
      %cond3A_77 = arith.cmpi ne, %convert_element_type3A_75, %cond3A_76 : i32
      scf.if %cond3A_77 {
        "tpu.region"() ({
          %run_scoped3A = tpu.sem_alloc : memref<!tpu.dma_semaphore, #tpu.memory_space<semaphore_mem>>
          %dma_start3A_83 = tpu.memref_slice %arg6[%mul3A_4] : memref<100000xf32, #tpu.memory_space<hbm>> -> memref<6256xf32, #tpu.memory_space<hbm>>
          %dma_start3A_84 = tpu.memref_slice %arg6[%mul3A_4] : memref<100000xf32, #tpu.memory_space<hbm>> -> memref<6256xf32, #tpu.memory_space<hbm>>
          tpu.enqueue_dma source(%arg14 : memref<6256xf32, #tpu.memory_space<vmem>>) target(%dma_start3A_84 : memref<6256xf32, #tpu.memory_space<hbm>>) target_semaphore(%run_scoped3A : memref<!tpu.dma_semaphore, #tpu.memory_space<semaphore_mem>>)
          %dma_wait3A_85 = tpu.memref_slice %arg6[%mul3A_4] : memref<100000xf32, #tpu.memory_space<hbm>> -> memref<6256xf32, #tpu.memory_space<hbm>>
          %dma_wait3A_86 = tpu.memref_slice %arg6[%mul3A_4] : memref<100000xf32, #tpu.memory_space<hbm>> -> memref<6256xf32, #tpu.memory_space<hbm>>
          tpu.wait_dma2 semaphore(%run_scoped3A : memref<!tpu.dma_semaphore, #tpu.memory_space<semaphore_mem>>) src(%arg14 : memref<6256xf32, #tpu.memory_space<vmem>>) dst(%dma_wait3A_86 : memref<6256xf32, #tpu.memory_space<hbm>>)
          tpu.yield
        }) : () -> ()
      } else {
      }
      %eq3A_78 = arith.constant 15 : i32
      %eq3A_79 = arith.cmpi eq, %arg1, %eq3A_78 : i32
      %convert_element_type3A_80 = arith.extui %eq3A_79 : i1 to i32
      %cond3A_81 = arith.constant 0 : i32
      %cond3A_82 = arith.cmpi ne, %convert_element_type3A_80, %cond3A_81 : i32
      scf.if %cond3A_82 {
        "tpu.region"() ({
          %run_scoped3A = tpu.sem_alloc : memref<!tpu.dma_semaphore, #tpu.memory_space<semaphore_mem>>
          %dma_start3A_83 = arith.constant 0 : i32
          %dma_start3A_84 = tpu.memref_slice %arg14[%dma_start3A_83] : memref<6256xf32, #tpu.memory_space<vmem>> -> memref<6160xf32, #tpu.memory_space<vmem>>
          %dma_start3A_85 = arith.constant 93840 : i32
          %dma_start3A_86 = tpu.memref_slice %arg6[%dma_start3A_85] : memref<100000xf32, #tpu.memory_space<hbm>> -> memref<6160xf32, #tpu.memory_space<hbm>>
          %dma_start3A_87 = arith.constant 93840 : i32
          %dma_start3A_88 = tpu.memref_slice %arg6[%dma_start3A_87] : memref<100000xf32, #tpu.memory_space<hbm>> -> memref<6160xf32, #tpu.memory_space<hbm>>
          %dma_start3A_89 = arith.constant 0 : i32
          %dma_start3A_90 = tpu.memref_slice %arg14[%dma_start3A_89] : memref<6256xf32, #tpu.memory_space<vmem>> -> memref<6160xf32, #tpu.memory_space<vmem>>
          tpu.enqueue_dma source(%dma_start3A_90 : memref<6160xf32, #tpu.memory_space<vmem>>) target(%dma_start3A_88 : memref<6160xf32, #tpu.memory_space<hbm>>) target_semaphore(%run_scoped3A : memref<!tpu.dma_semaphore, #tpu.memory_space<semaphore_mem>>)
          %dma_wait3A_91 = arith.constant 0 : i32
          %dma_wait3A_92 = tpu.memref_slice %arg14[%dma_wait3A_91] : memref<6256xf32, #tpu.memory_space<vmem>> -> memref<6160xf32, #tpu.memory_space<vmem>>
          %dma_wait3A_93 = arith.constant 93840 : i32
          %dma_wait3A_94 = tpu.memref_slice %arg6[%dma_wait3A_93] : memref<100000xf32, #tpu.memory_space<hbm>> -> memref<6160xf32, #tpu.memory_space<hbm>>
          %dma_wait3A_95 = arith.constant 93840 : i32
          %dma_wait3A_96 = tpu.memref_slice %arg6[%dma_wait3A_95] : memref<100000xf32, #tpu.memory_space<hbm>> -> memref<6160xf32, #tpu.memory_space<hbm>>
          %dma_wait3A_97 = arith.constant 0 : i32
          %dma_wait3A_98 = tpu.memref_slice %arg14[%dma_wait3A_97] : memref<6256xf32, #tpu.memory_space<vmem>> -> memref<6160xf32, #tpu.memory_space<vmem>>
          tpu.wait_dma2 semaphore(%run_scoped3A : memref<!tpu.dma_semaphore, #tpu.memory_space<semaphore_mem>>) src(%dma_wait3A_98 : memref<6160xf32, #tpu.memory_space<vmem>>) dst(%dma_wait3A_96 : memref<6160xf32, #tpu.memory_space<hbm>>)
          tpu.yield
        }) : () -> ()
      } else {
      }
    } else {
    }
    %eq3A_69 = arith.constant 1 : i32
    %eq3A_70 = arith.cmpi eq, %arg0, %eq3A_69 : i32
    %convert_element_type3A_71 = arith.extui %eq3A_70 : i1 to i32
    %cond3A_72 = arith.constant 0 : i32
    %cond3A_73 = arith.cmpi ne, %convert_element_type3A_71, %cond3A_72 : i32
    scf.if %cond3A_73 {
      %lt3A = arith.constant 15 : i32
      %lt3A_74 = arith.cmpi slt, %arg1, %lt3A : i32
      %convert_element_type3A_75 = arith.extui %lt3A_74 : i1 to i32
      %cond3A_76 = arith.constant 0 : i32
      %cond3A_77 = arith.cmpi ne, %convert_element_type3A_75, %cond3A_76 : i32
      scf.if %cond3A_77 {
        "tpu.region"() ({
          %run_scoped3A = tpu.sem_alloc : memref<!tpu.dma_semaphore, #tpu.memory_space<semaphore_mem>>
          %dma_start3A_83 = tpu.memref_slice %arg7[%mul3A_4] : memref<100000xf32, #tpu.memory_space<hbm>> -> memref<6256xf32, #tpu.memory_space<hbm>>
          %dma_start3A_84 = tpu.memref_slice %arg7[%mul3A_4] : memref<100000xf32, #tpu.memory_space<hbm>> -> memref<6256xf32, #tpu.memory_space<hbm>>
          tpu.enqueue_dma source(%arg14 : memref<6256xf32, #tpu.memory_space<vmem>>) target(%dma_start3A_84 : memref<6256xf32, #tpu.memory_space<hbm>>) target_semaphore(%run_scoped3A : memref<!tpu.dma_semaphore, #tpu.memory_space<semaphore_mem>>)
          %dma_wait3A_85 = tpu.memref_slice %arg7[%mul3A_4] : memref<100000xf32, #tpu.memory_space<hbm>> -> memref<6256xf32, #tpu.memory_space<hbm>>
          %dma_wait3A_86 = tpu.memref_slice %arg7[%mul3A_4] : memref<100000xf32, #tpu.memory_space<hbm>> -> memref<6256xf32, #tpu.memory_space<hbm>>
          tpu.wait_dma2 semaphore(%run_scoped3A : memref<!tpu.dma_semaphore, #tpu.memory_space<semaphore_mem>>) src(%arg14 : memref<6256xf32, #tpu.memory_space<vmem>>) dst(%dma_wait3A_86 : memref<6256xf32, #tpu.memory_space<hbm>>)
          tpu.yield
        }) : () -> ()
      } else {
      }
      %eq3A_78 = arith.constant 15 : i32
      %eq3A_79 = arith.cmpi eq, %arg1, %eq3A_78 : i32
      %convert_element_type3A_80 = arith.extui %eq3A_79 : i1 to i32
      %cond3A_81 = arith.constant 0 : i32
      %cond3A_82 = arith.cmpi ne, %convert_element_type3A_80, %cond3A_81 : i32
      scf.if %cond3A_82 {
        "tpu.region"() ({
          %run_scoped3A = tpu.sem_alloc : memref<!tpu.dma_semaphore, #tpu.memory_space<semaphore_mem>>
          %dma_start3A_83 = arith.constant 0 : i32
          %dma_start3A_84 = tpu.memref_slice %arg14[%dma_start3A_83] : memref<6256xf32, #tpu.memory_space<vmem>> -> memref<6160xf32, #tpu.memory_space<vmem>>
          %dma_start3A_85 = arith.constant 93840 : i32
          %dma_start3A_86 = tpu.memref_slice %arg7[%dma_start3A_85] : memref<100000xf32, #tpu.memory_space<hbm>> -> memref<6160xf32, #tpu.memory_space<hbm>>
          %dma_start3A_87 = arith.constant 93840 : i32
          %dma_start3A_88 = tpu.memref_slice %arg7[%dma_start3A_87] : memref<100000xf32, #tpu.memory_space<hbm>> -> memref<6160xf32, #tpu.memory_space<hbm>>
          %dma_start3A_89 = arith.constant 0 : i32
          %dma_start3A_90 = tpu.memref_slice %arg14[%dma_start3A_89] : memref<6256xf32, #tpu.memory_space<vmem>> -> memref<6160xf32, #tpu.memory_space<vmem>>
          tpu.enqueue_dma source(%dma_start3A_90 : memref<6160xf32, #tpu.memory_space<vmem>>) target(%dma_start3A_88 : memref<6160xf32, #tpu.memory_space<hbm>>) target_semaphore(%run_scoped3A : memref<!tpu.dma_semaphore, #tpu.memory_space<semaphore_mem>>)
          %dma_wait3A_91 = arith.constant 0 : i32
          %dma_wait3A_92 = tpu.memref_slice %arg14[%dma_wait3A_91] : memref<6256xf32, #tpu.memory_space<vmem>> -> memref<6160xf32, #tpu.memory_space<vmem>>
          %dma_wait3A_93 = arith.constant 93840 : i32
          %dma_wait3A_94 = tpu.memref_slice %arg7[%dma_wait3A_93] : memref<100000xf32, #tpu.memory_space<hbm>> -> memref<6160xf32, #tpu.memory_space<hbm>>
          %dma_wait3A_95 = arith.constant 93840 : i32
          %dma_wait3A_96 = tpu.memref_slice %arg7[%dma_wait3A_95] : memref<100000xf32, #tpu.memory_space<hbm>> -> memref<6160xf32, #tpu.memory_space<hbm>>
          %dma_wait3A_97 = arith.constant 0 : i32
          %dma_wait3A_98 = tpu.memref_slice %arg14[%dma_wait3A_97] : memref<6256xf32, #tpu.memory_space<vmem>> -> memref<6160xf32, #tpu.memory_space<vmem>>
          tpu.wait_dma2 semaphore(%run_scoped3A : memref<!tpu.dma_semaphore, #tpu.memory_space<semaphore_mem>>) src(%dma_wait3A_98 : memref<6160xf32, #tpu.memory_space<vmem>>) dst(%dma_wait3A_96 : memref<6160xf32, #tpu.memory_space<hbm>>)
          tpu.yield
        }) : () -> ()
      } else {
      }
    } else {
    }
    return
  }
}

#map = affine_map<(d0, d1) -> (0, 0)>
#map1 = affine_map<(d0, d1) -> (0)>
module attributes {stable_mosaic.version = 14 : i64} {
  func.func @_deg_body(%arg0: i32, %arg1: i32, %arg2: memref<2x1600000xi32, #tpu.memory_space<hbm>>, %arg3: memref<200192xf32, #tpu.memory_space<hbm>>, %arg4: memref<2x6400xi32, #tpu.memory_space<vmem>>, %arg5: memref<2x6400xi32, #tpu.memory_space<vmem>>, %arg6: memref<6400xi32, #tpu.memory_space<vmem>>, %arg7: memref<6400xi32, #tpu.memory_space<vmem>>, %arg8: memref<6400xf32, #tpu.memory_space<vmem>>, %arg9: memref<6256xf32, #tpu.memory_space<vmem>>, %arg10: memref<!tpu.dma_semaphore, #tpu.memory_space<semaphore_mem>>, %arg11: memref<!tpu.dma_semaphore, #tpu.memory_space<semaphore_mem>>, %arg12: memref<!tpu.dma_semaphore, #tpu.memory_space<semaphore_mem>>, %arg13: memref<!tpu.dma_semaphore, #tpu.memory_space<semaphore_mem>>, %arg14: memref<100096xf32, #tpu.memory_space<vmem_shared>>) attributes {dimension_semantics = [#tpu.dimension_semantics<core_parallel>, #tpu.dimension_semantics<subcore_parallel>], iteration_bounds = array<i64: 2, 16>, scalar_prefetch = 0 : i64, scratch_operands = 11 : i64, tpu.core_type = #tpu.core_type<sc_vector_subcore>, window_params = [{transform_indices = #map}, {transform_indices = #map1}]} {
    %mul3A = arith.constant 2 : i32
    %mul3A_0 = arith.muli %arg1, %mul3A : i32
    %add3A = arith.addi %mul3A_0, %arg0 : i32
    %scan3A = arith.constant 0 : i32
    %scan3A_1 = arith.constant 0 : i32
    %scan3A_2 = arith.constant 400 : i32
    %scan3A_3 = arith.addi %scan3A_1, %scan3A_2 : i32
    %scan3A_4 = arith.constant 1 : i32
    scf.for %scan3A_38 = %scan3A_1 to %scan3A_3 step %scan3A_4  : i32 {
      %broadcast_in_dim3A = arith.constant 1.000000e+00 : f32
      %broadcast_in_dim3A_39 = vector.broadcast %broadcast_in_dim3A : f32 to vector<16xf32>
      %mul3A_40 = arith.constant 16 : i32
      %mul3A_41 = arith.muli %scan3A_38, %mul3A_40 : i32
      %swap3A = arith.index_cast %mul3A_41 : i32 to index
      %swap3A_42 = tpu.vector_load %arg8[%swap3A] {strides = array<i32>} : memref<6400xf32, #tpu.memory_space<vmem>>, vector<16xf32>,
      %swap3A_43 = vector.shape_cast %swap3A_42 : vector<16xf32> to vector<16xf32>
      %swap3A_44 = vector.shape_cast %broadcast_in_dim3A_39 : vector<16xf32> to vector<16xf32>
      tpu.vector_store %arg8[%swap3A], %swap3A_44 {strides = array<i32>} : memref<6400xf32, #tpu.memory_space<vmem>>, vector<16xf32>,
    }
    %scan3A_5 = arith.constant 400 : i32
    %scan3A_6 = arith.constant 0 : i32
    %scan3A_7 = arith.constant 0 : i32
    %scan3A_8 = arith.constant 391 : i32
    %scan3A_9 = arith.addi %scan3A_7, %scan3A_8 : i32
    %scan3A_10 = arith.constant 1 : i32
    scf.for %scan3A_38 = %scan3A_7 to %scan3A_9 step %scan3A_10  : i32 {
      %broadcast_in_dim3A = arith.constant 0.000000e+00 : f32
      %broadcast_in_dim3A_39 = vector.broadcast %broadcast_in_dim3A : f32 to vector<16xf32>
      %mul3A_40 = arith.constant 16 : i32
      %mul3A_41 = arith.muli %scan3A_38, %mul3A_40 : i32
      %swap3A = arith.index_cast %mul3A_41 : i32 to index
      %swap3A_42 = tpu.vector_load %arg9[%swap3A] {strides = array<i32>} : memref<6256xf32, #tpu.memory_space<vmem>>, vector<16xf32>,
      %swap3A_43 = vector.shape_cast %swap3A_42 : vector<16xf32> to vector<16xf32>
      %swap3A_44 = vector.shape_cast %broadcast_in_dim3A_39 : vector<16xf32> to vector<16xf32>
      tpu.vector_store %arg9[%swap3A], %swap3A_44 {strides = array<i32>} : memref<6256xf32, #tpu.memory_space<vmem>>, vector<16xf32>,
    }
    %scan3A_11 = arith.constant 391 : i32
    %mul3A_12 = arith.constant 6256 : i32
    %mul3A_13 = arith.muli %arg1, %mul3A_12 : i32
    "tpu.region"() ({
      %run_scoped3A = tpu.sem_alloc : memref<!tpu.dma_semaphore, #tpu.memory_space<semaphore_mem>>
      %dma_start3A_38 = tpu.memref_slice %arg14[%mul3A_13] : memref<100096xf32, #tpu.memory_space<vmem_shared>> -> memref<6256xf32, #tpu.memory_space<vmem_shared>>
      %dma_start3A_39 = tpu.memref_slice %arg14[%mul3A_13] : memref<100096xf32, #tpu.memory_space<vmem_shared>> -> memref<6256xf32, #tpu.memory_space<vmem_shared>>
      tpu.enqueue_dma source(%arg9 : memref<6256xf32, #tpu.memory_space<vmem>>) target(%dma_start3A_39 : memref<6256xf32, #tpu.memory_space<vmem_shared>>) target_semaphore(%run_scoped3A : memref<!tpu.dma_semaphore, #tpu.memory_space<semaphore_mem>>)
      %dma_wait3A_40 = tpu.memref_slice %arg14[%mul3A_13] : memref<100096xf32, #tpu.memory_space<vmem_shared>> -> memref<6256xf32, #tpu.memory_space<vmem_shared>>
      %dma_wait3A_41 = tpu.memref_slice %arg14[%mul3A_13] : memref<100096xf32, #tpu.memory_space<vmem_shared>> -> memref<6256xf32, #tpu.memory_space<vmem_shared>>
      tpu.wait_dma2 semaphore(%run_scoped3A : memref<!tpu.dma_semaphore, #tpu.memory_space<semaphore_mem>>) src(%arg9 : memref<6256xf32, #tpu.memory_space<vmem>>) dst(%dma_wait3A_41 : memref<6256xf32, #tpu.memory_space<vmem_shared>>)
      tpu.yield
    }) : () -> ()
    %barrier3A = arith.constant 0 : index
    tpu.barrier barrier_id(%barrier3A)
    %lt3A = arith.constant 26 : i32
    %lt3A_14 = arith.cmpi slt, %add3A, %lt3A : i32
    %jit3A = arith.constant 8 : i32
    %jit3A_15 = arith.constant 7 : i32
    %select_n3A = arith.select %lt3A_14, %jit3A, %jit3A_15 : i32
    %add3A_16 = arith.constant 0 : i32
    %add3A_17 = arith.addi %add3A, %add3A_16 : i32
    %mul3A_18 = arith.constant 6400 : i32
    %mul3A_19 = arith.muli %add3A_17, %mul3A_18 : i32
    %dma_start3A = arith.constant 0 : i32
    %dma_start3A_20 = tpu.memref_slice %arg2[%dma_start3A, %mul3A_19] : memref<2x1600000xi32, #tpu.memory_space<hbm>> -> memref<2x6400xi32, #tpu.memory_space<hbm>>
    %dma_start3A_21 = arith.constant 0 : i32
    %dma_start3A_22 = tpu.memref_slice %arg2[%dma_start3A_21, %mul3A_19] : memref<2x1600000xi32, #tpu.memory_space<hbm>> -> memref<2x6400xi32, #tpu.memory_space<hbm>>
    tpu.enqueue_dma source(%dma_start3A_22 : memref<2x6400xi32, #tpu.memory_space<hbm>>) target(%arg4 : memref<2x6400xi32, #tpu.memory_space<vmem>>) target_semaphore(%arg10 : memref<!tpu.dma_semaphore, #tpu.memory_space<semaphore_mem>>)
    %scan3A_23 = arith.constant 0 : i32
    %scan3A_24 = arith.constant 0 : i32
    %scan3A_25 = arith.constant 4 : i32
    %scan3A_26 = arith.addi %scan3A_24, %scan3A_25 : i32
    %scan3A_27 = arith.constant 1 : i32
    scf.for %scan3A_38 = %scan3A_24 to %scan3A_26 step %scan3A_27  : i32 {
      %mul3A_39 = arith.constant 2 : i32
      %mul3A_40 = arith.muli %mul3A_39, %scan3A_38 : i32
      %add3A_41 = arith.constant 1 : i32
      %add3A_42 = arith.addi %mul3A_40, %add3A_41 : i32
      %lt3A_43 = arith.cmpi slt, %add3A_42, %select_n3A : i32
      %convert_element_type3A = arith.extui %lt3A_43 : i1 to i32
      %cond3A = arith.constant 0 : i32
      %cond3A_44 = arith.cmpi ne, %convert_element_type3A, %cond3A : i32
      scf.if %cond3A_44 {
        %mul3A_79 = arith.constant 2 : i32
        %mul3A_80 = arith.muli %mul3A_79, %scan3A_38 : i32
        %add3A_81 = arith.constant 1 : i32
        %add3A_82 = arith.addi %mul3A_80, %add3A_81 : i32
        %mul3A_83 = arith.constant 32 : i32
        %mul3A_84 = arith.muli %mul3A_83, %add3A_82 : i32
        %add3A_85 = arith.addi %add3A, %mul3A_84 : i32
        %mul3A_86 = arith.constant 6400 : i32
        %mul3A_87 = arith.muli %add3A_85, %mul3A_86 : i32
        %dma_start3A_88 = arith.constant 0 : i32
        %dma_start3A_89 = tpu.memref_slice %arg2[%dma_start3A_88, %mul3A_87] : memref<2x1600000xi32, #tpu.memory_space<hbm>> -> memref<2x6400xi32, #tpu.memory_space<hbm>>
        %dma_start3A_90 = arith.constant 0 : i32
        %dma_start3A_91 = tpu.memref_slice %arg2[%dma_start3A_90, %mul3A_87] : memref<2x1600000xi32, #tpu.memory_space<hbm>> -> memref<2x6400xi32, #tpu.memory_space<hbm>>
        tpu.enqueue_dma source(%dma_start3A_91 : memref<2x6400xi32, #tpu.memory_space<hbm>>) target(%arg5 : memref<2x6400xi32, #tpu.memory_space<vmem>>) target_semaphore(%arg11 : memref<!tpu.dma_semaphore, #tpu.memory_space<semaphore_mem>>)
      } else {
      }
      %dma_wait3A_45 = arith.constant 0 : i32
      %dma_wait3A_46 = arith.constant 0 : i32
      %dma_wait3A_47 = tpu.memref_slice %arg2[%dma_wait3A_45, %dma_wait3A_46] : memref<2x1600000xi32, #tpu.memory_space<hbm>> -> memref<2x6400xi32, #tpu.memory_space<hbm>>
      %dma_wait3A_48 = arith.constant 0 : i32
      %dma_wait3A_49 = arith.constant 0 : i32
      %dma_wait3A_50 = tpu.memref_slice %arg2[%dma_wait3A_48, %dma_wait3A_49] : memref<2x1600000xi32, #tpu.memory_space<hbm>> -> memref<2x6400xi32, #tpu.memory_space<hbm>>
      tpu.wait_dma2 semaphore(%arg10 : memref<!tpu.dma_semaphore, #tpu.memory_space<semaphore_mem>>) src(%dma_wait3A_50 : memref<2x6400xi32, #tpu.memory_space<hbm>>) dst(%arg4 : memref<2x6400xi32, #tpu.memory_space<vmem>>)
      %gt3A = arith.constant 0 : i32
      %gt3A_51 = arith.cmpi sgt, %scan3A_38, %gt3A : i32
      %convert_element_type3A_52 = arith.extui %gt3A_51 : i1 to i32
      %cond3A_53 = arith.constant 0 : i32
      %cond3A_54 = arith.cmpi ne, %convert_element_type3A_52, %cond3A_53 : i32
      scf.if %cond3A_54 {
        %dma_wait3A_79 = arith.constant 0 : i32
        %dma_wait3A_80 = tpu.memref_slice %arg14[%dma_wait3A_79] : memref<100096xf32, #tpu.memory_space<vmem_shared>> -> memref<100096xf32, #tpu.memory_space<vmem_shared>>
        tpu.wait_indirect_dma semaphore(%arg12 : memref<!tpu.dma_semaphore, #tpu.memory_space<semaphore_mem>>) src(%arg8 : memref<6400xf32, #tpu.memory_space<vmem>>) dst(%dma_wait3A_80 : memref<100096xf32, #tpu.memory_space<vmem_shared>>)
      } else {
      }
      %scan3A_55 = arith.constant 0 : i32
      %scan3A_56 = arith.constant 0 : i32
      %scan3A_57 = arith.constant 400 : i32
      %scan3A_58 = arith.addi %scan3A_56, %scan3A_57 : i32
      %scan3A_59 = arith.constant 1 : i32
      scf.for %scan3A_79 = %scan3A_56 to %scan3A_58 step %scan3A_59  : i32 {
        %mul3A_80 = arith.constant 16 : i32
        %mul3A_81 = arith.muli %scan3A_79, %mul3A_80 : i32
        %get3A = arith.constant 1 : i32
        %get3A_82 = arith.index_cast %get3A : i32 to index
        %get3A_83 = arith.index_cast %mul3A_81 : i32 to index
        %get3A_84 = tpu.vector_load %arg4[%get3A_82, %get3A_83] {strides = array<i32>} : memref<2x6400xi32, #tpu.memory_space<vmem>>, vector<1x16xi32>,
        %get3A_85 = vector.shape_cast %get3A_84 : vector<1x16xi32> to vector<16xi32>
        %swap3A = arith.index_cast %mul3A_81 : i32 to index
        %swap3A_86 = tpu.vector_load %arg6[%swap3A] {strides = array<i32>} : memref<6400xi32, #tpu.memory_space<vmem>>, vector<16xi32>,
        %swap3A_87 = vector.shape_cast %swap3A_86 : vector<16xi32> to vector<16xi32>
        %swap3A_88 = vector.shape_cast %get3A_85 : vector<16xi32> to vector<16xi32>
        tpu.vector_store %arg6[%swap3A], %swap3A_88 {strides = array<i32>} : memref<6400xi32, #tpu.memory_space<vmem>>, vector<16xi32>,
      }
      %scan3A_60 = arith.constant 400 : i32
      %dma_start3A_61 = arith.constant 0 : i32
      %dma_start3A_62 = tpu.memref_slice %arg14[%dma_start3A_61] : memref<100096xf32, #tpu.memory_space<vmem_shared>> -> memref<100096xf32, #tpu.memory_space<vmem_shared>>
      tpu.enqueue_indirect_dma source(%arg8 : memref<6400xf32, #tpu.memory_space<vmem>>) target(%dma_start3A_62 : memref<100096xf32, #tpu.memory_space<vmem_shared>>) offsets(%arg6 : memref<6400xi32, #tpu.memory_space<vmem>>) semaphore(%arg12 : memref<!tpu.dma_semaphore, #tpu.memory_space<semaphore_mem>>) {add = true}
      %mul3A_63 = arith.constant 2 : i32
      %mul3A_64 = arith.muli %mul3A_63, %scan3A_38 : i32
      %add3A_65 = arith.constant 2 : i32
      %add3A_66 = arith.addi %mul3A_64, %add3A_65 : i32
      %lt3A_67 = arith.cmpi slt, %add3A_66, %select_n3A : i32
      %convert_element_type3A_68 = arith.extui %lt3A_67 : i1 to i32
      %cond3A_69 = arith.constant 0 : i32
      %cond3A_70 = arith.cmpi ne, %convert_element_type3A_68, %cond3A_69 : i32
      scf.if %cond3A_70 {
        %mul3A_79 = arith.constant 2 : i32
        %mul3A_80 = arith.muli %mul3A_79, %scan3A_38 : i32
        %add3A_81 = arith.constant 2 : i32
        %add3A_82 = arith.addi %mul3A_80, %add3A_81 : i32
        %mul3A_83 = arith.constant 32 : i32
        %mul3A_84 = arith.muli %mul3A_83, %add3A_82 : i32
        %add3A_85 = arith.addi %add3A, %mul3A_84 : i32
        %mul3A_86 = arith.constant 6400 : i32
        %mul3A_87 = arith.muli %add3A_85, %mul3A_86 : i32
        %dma_start3A_88 = arith.constant 0 : i32
        %dma_start3A_89 = tpu.memref_slice %arg2[%dma_start3A_88, %mul3A_87] : memref<2x1600000xi32, #tpu.memory_space<hbm>> -> memref<2x6400xi32, #tpu.memory_space<hbm>>
        %dma_start3A_90 = arith.constant 0 : i32
        %dma_start3A_91 = tpu.memref_slice %arg2[%dma_start3A_90, %mul3A_87] : memref<2x1600000xi32, #tpu.memory_space<hbm>> -> memref<2x6400xi32, #tpu.memory_space<hbm>>
        tpu.enqueue_dma source(%dma_start3A_91 : memref<2x6400xi32, #tpu.memory_space<hbm>>) target(%arg4 : memref<2x6400xi32, #tpu.memory_space<vmem>>) target_semaphore(%arg10 : memref<!tpu.dma_semaphore, #tpu.memory_space<semaphore_mem>>)
      } else {
      }
      %mul3A_71 = arith.constant 2 : i32
      %mul3A_72 = arith.muli %mul3A_71, %scan3A_38 : i32
      %add3A_73 = arith.constant 1 : i32
      %add3A_74 = arith.addi %mul3A_72, %add3A_73 : i32
      %lt3A_75 = arith.cmpi slt, %add3A_74, %select_n3A : i32
      %convert_element_type3A_76 = arith.extui %lt3A_75 : i1 to i32
      %cond3A_77 = arith.constant 0 : i32
      %cond3A_78 = arith.cmpi ne, %convert_element_type3A_76, %cond3A_77 : i32
      scf.if %cond3A_78 {
        %dma_wait3A_79 = arith.constant 0 : i32
        %dma_wait3A_80 = arith.constant 0 : i32
        %dma_wait3A_81 = tpu.memref_slice %arg2[%dma_wait3A_79, %dma_wait3A_80] : memref<2x1600000xi32, #tpu.memory_space<hbm>> -> memref<2x6400xi32, #tpu.memory_space<hbm>>
        %dma_wait3A_82 = arith.constant 0 : i32
        %dma_wait3A_83 = arith.constant 0 : i32
        %dma_wait3A_84 = tpu.memref_slice %arg2[%dma_wait3A_82, %dma_wait3A_83] : memref<2x1600000xi32, #tpu.memory_space<hbm>> -> memref<2x6400xi32, #tpu.memory_space<hbm>>
        tpu.wait_dma2 semaphore(%arg11 : memref<!tpu.dma_semaphore, #tpu.memory_space<semaphore_mem>>) src(%dma_wait3A_84 : memref<2x6400xi32, #tpu.memory_space<hbm>>) dst(%arg5 : memref<2x6400xi32, #tpu.memory_space<vmem>>)
        %gt3A_85 = arith.constant 0 : i32
        %gt3A_86 = arith.cmpi sgt, %scan3A_38, %gt3A_85 : i32
        %convert_element_type3A_87 = arith.extui %gt3A_86 : i1 to i32
        %cond3A_88 = arith.constant 0 : i32
        %cond3A_89 = arith.cmpi ne, %convert_element_type3A_87, %cond3A_88 : i32
        scf.if %cond3A_89 {
          %dma_wait3A_98 = arith.constant 0 : i32
          %dma_wait3A_99 = tpu.memref_slice %arg14[%dma_wait3A_98] : memref<100096xf32, #tpu.memory_space<vmem_shared>> -> memref<100096xf32, #tpu.memory_space<vmem_shared>>
          tpu.wait_indirect_dma semaphore(%arg13 : memref<!tpu.dma_semaphore, #tpu.memory_space<semaphore_mem>>) src(%arg8 : memref<6400xf32, #tpu.memory_space<vmem>>) dst(%dma_wait3A_99 : memref<100096xf32, #tpu.memory_space<vmem_shared>>)
        } else {
        }
        %scan3A_90 = arith.constant 0 : i32
        %scan3A_91 = arith.constant 0 : i32
        %scan3A_92 = arith.constant 400 : i32
        %scan3A_93 = arith.addi %scan3A_91, %scan3A_92 : i32
        %scan3A_94 = arith.constant 1 : i32
        scf.for %scan3A_98 = %scan3A_91 to %scan3A_93 step %scan3A_94  : i32 {
          %mul3A_99 = arith.constant 16 : i32
          %mul3A_100 = arith.muli %scan3A_98, %mul3A_99 : i32
          %get3A = arith.constant 1 : i32
          %get3A_101 = arith.index_cast %get3A : i32 to index
          %get3A_102 = arith.index_cast %mul3A_100 : i32 to index
          %get3A_103 = tpu.vector_load %arg5[%get3A_101, %get3A_102] {strides = array<i32>} : memref<2x6400xi32, #tpu.memory_space<vmem>>, vector<1x16xi32>,
          %get3A_104 = vector.shape_cast %get3A_103 : vector<1x16xi32> to vector<16xi32>
          %swap3A = arith.index_cast %mul3A_100 : i32 to index
          %swap3A_105 = tpu.vector_load %arg7[%swap3A] {strides = array<i32>} : memref<6400xi32, #tpu.memory_space<vmem>>, vector<16xi32>,
          %swap3A_106 = vector.shape_cast %swap3A_105 : vector<16xi32> to vector<16xi32>
          %swap3A_107 = vector.shape_cast %get3A_104 : vector<16xi32> to vector<16xi32>
          tpu.vector_store %arg7[%swap3A], %swap3A_107 {strides = array<i32>} : memref<6400xi32, #tpu.memory_space<vmem>>, vector<16xi32>,
        }
        %scan3A_95 = arith.constant 400 : i32
        %dma_start3A_96 = arith.constant 0 : i32
        %dma_start3A_97 = tpu.memref_slice %arg14[%dma_start3A_96] : memref<100096xf32, #tpu.memory_space<vmem_shared>> -> memref<100096xf32, #tpu.memory_space<vmem_shared>>
        tpu.enqueue_indirect_dma source(%arg8 : memref<6400xf32, #tpu.memory_space<vmem>>) target(%dma_start3A_97 : memref<100096xf32, #tpu.memory_space<vmem_shared>>) offsets(%arg7 : memref<6400xi32, #tpu.memory_space<vmem>>) semaphore(%arg13 : memref<!tpu.dma_semaphore, #tpu.memory_space<semaphore_mem>>) {add = true}
      } else {
      }
    }
    %scan3A_28 = arith.constant 4 : i32
    %dma_wait3A = arith.constant 0 : i32
    %dma_wait3A_29 = tpu.memref_slice %arg14[%dma_wait3A] : memref<100096xf32, #tpu.memory_space<vmem_shared>> -> memref<100096xf32, #tpu.memory_space<vmem_shared>>
    tpu.wait_indirect_dma semaphore(%arg12 : memref<!tpu.dma_semaphore, #tpu.memory_space<semaphore_mem>>) src(%arg8 : memref<6400xf32, #tpu.memory_space<vmem>>) dst(%dma_wait3A_29 : memref<100096xf32, #tpu.memory_space<vmem_shared>>)
    %dma_wait3A_30 = arith.constant 0 : i32
    %dma_wait3A_31 = tpu.memref_slice %arg14[%dma_wait3A_30] : memref<100096xf32, #tpu.memory_space<vmem_shared>> -> memref<100096xf32, #tpu.memory_space<vmem_shared>>
    tpu.wait_indirect_dma semaphore(%arg13 : memref<!tpu.dma_semaphore, #tpu.memory_space<semaphore_mem>>) src(%arg8 : memref<6400xf32, #tpu.memory_space<vmem>>) dst(%dma_wait3A_31 : memref<100096xf32, #tpu.memory_space<vmem_shared>>)
    %barrier3A_32 = arith.constant 0 : index
    tpu.barrier barrier_id(%barrier3A_32)
    "tpu.region"() ({
      %run_scoped3A = tpu.sem_alloc : memref<!tpu.dma_semaphore, #tpu.memory_space<semaphore_mem>>
      %dma_start3A_38 = tpu.memref_slice %arg14[%mul3A_13] : memref<100096xf32, #tpu.memory_space<vmem_shared>> -> memref<6256xf32, #tpu.memory_space<vmem_shared>>
      %dma_start3A_39 = tpu.memref_slice %arg14[%mul3A_13] : memref<100096xf32, #tpu.memory_space<vmem_shared>> -> memref<6256xf32, #tpu.memory_space<vmem_shared>>
      tpu.enqueue_dma source(%dma_start3A_39 : memref<6256xf32, #tpu.memory_space<vmem_shared>>) target(%arg9 : memref<6256xf32, #tpu.memory_space<vmem>>) target_semaphore(%run_scoped3A : memref<!tpu.dma_semaphore, #tpu.memory_space<semaphore_mem>>)
      %dma_wait3A_40 = tpu.memref_slice %arg14[%mul3A_13] : memref<100096xf32, #tpu.memory_space<vmem_shared>> -> memref<6256xf32, #tpu.memory_space<vmem_shared>>
      %dma_wait3A_41 = tpu.memref_slice %arg14[%mul3A_13] : memref<100096xf32, #tpu.memory_space<vmem_shared>> -> memref<6256xf32, #tpu.memory_space<vmem_shared>>
      tpu.wait_dma2 semaphore(%run_scoped3A : memref<!tpu.dma_semaphore, #tpu.memory_space<semaphore_mem>>) src(%dma_wait3A_41 : memref<6256xf32, #tpu.memory_space<vmem_shared>>) dst(%arg9 : memref<6256xf32, #tpu.memory_space<vmem>>)
      tpu.yield
    }) : () -> ()
    %mul3A_33 = arith.constant 100096 : i32
    %mul3A_34 = arith.muli %arg0, %mul3A_33 : i32
    %mul3A_35 = arith.constant 6256 : i32
    %mul3A_36 = arith.muli %arg1, %mul3A_35 : i32
    %add3A_37 = arith.addi %mul3A_34, %mul3A_36 : i32
    "tpu.region"() ({
      %run_scoped3A = tpu.sem_alloc : memref<!tpu.dma_semaphore, #tpu.memory_space<semaphore_mem>>
      %dma_start3A_38 = tpu.memref_slice %arg3[%add3A_37] : memref<200192xf32, #tpu.memory_space<hbm>> -> memref<6256xf32, #tpu.memory_space<hbm>>
      %dma_start3A_39 = tpu.memref_slice %arg3[%add3A_37] : memref<200192xf32, #tpu.memory_space<hbm>> -> memref<6256xf32, #tpu.memory_space<hbm>>
      tpu.enqueue_dma source(%arg9 : memref<6256xf32, #tpu.memory_space<vmem>>) target(%dma_start3A_39 : memref<6256xf32, #tpu.memory_space<hbm>>) target_semaphore(%run_scoped3A : memref<!tpu.dma_semaphore, #tpu.memory_space<semaphore_mem>>)
      %dma_wait3A_40 = tpu.memref_slice %arg3[%add3A_37] : memref<200192xf32, #tpu.memory_space<hbm>> -> memref<6256xf32, #tpu.memory_space<hbm>>
      %dma_wait3A_41 = tpu.memref_slice %arg3[%add3A_37] : memref<200192xf32, #tpu.memory_space<hbm>> -> memref<6256xf32, #tpu.memory_space<hbm>>
      tpu.wait_dma2 semaphore(%run_scoped3A : memref<!tpu.dma_semaphore, #tpu.memory_space<semaphore_mem>>) src(%arg9 : memref<6256xf32, #tpu.memory_space<vmem>>) dst(%dma_wait3A_41 : memref<6256xf32, #tpu.memory_space<hbm>>)
      tpu.yield
    }) : () -> ()
    return
  }
}

module attributes {stable_mosaic.version = 14 : i64} {
  func.func @_head_body(%arg0: memref<2000x50xf32, #tpu.memory_space<vmem>>, %arg1: memref<2000x50xf32, #tpu.memory_space<vmem>>, %arg2: memref<50x2xf32, #tpu.memory_space<vmem>>, %arg3: memref<1x2xf32, #tpu.memory_space<vmem>>, %arg4: memref<1xf32, #tpu.memory_space<smem>>, %arg5: memref<1xf32, #tpu.memory_space<smem>>, %arg6: memref<2000x2xf32, #tpu.memory_space<vmem>>) attributes {dimension_semantics = [], scalar_prefetch = 0 : i64, scratch_operands = 0 : i64, tpu.core_type = #tpu.core_type<tc>} {
    %get3A = arith.constant 0 : index
    %get3A_0 = arith.constant 0 : index
    %get3A_1 = vector.load %arg0[%get3A, %get3A_0] : memref<2000x50xf32, #tpu.memory_space<vmem>>, vector<2000x50xf32>
    %get3A_2 = arith.constant 0 : index
    %get3A_3 = arith.constant 0 : index
    %get3A_4 = vector.load %arg1[%get3A_2, %get3A_3] : memref<2000x50xf32, #tpu.memory_space<vmem>>, vector<2000x50xf32>
    %add3A = arith.addf %get3A_1, %get3A_4 : vector<2000x50xf32>
    %get3A_5 = arith.constant 0 : index
    %get3A_6 = memref.load %arg4[%get3A_5] : memref<1xf32, #tpu.memory_space<smem>>
    %add3A_7 = vector.broadcast %get3A_6 : f32 to vector<2000x50xf32>
    %add3A_8 = arith.addf %add3A, %add3A_7 : vector<2000x50xf32>
    %get3A_9 = arith.constant 0 : index
    %get3A_10 = memref.load %arg5[%get3A_9] : memref<1xf32, #tpu.memory_space<smem>>
    %add3A_11 = vector.broadcast %get3A_10 : f32 to vector<2000x50xf32>
    %add3A_12 = arith.addf %add3A_8, %add3A_11 : vector<2000x50xf32>
    %get3A_13 = arith.constant 0 : index
    %get3A_14 = arith.constant 0 : index
    %get3A_15 = vector.load %arg2[%get3A_13, %get3A_14] : memref<50x2xf32, #tpu.memory_space<vmem>>, vector<50x2xf32>
    %dot_general3A = arith.constant dense<0.000000e+00> : vector<2000x2xf32>
    %dot_general3A_16 = tpu.matmul %add3A_12, %get3A_15, %dot_general3A {dimension_numbers = #tpu.dot_dimension_numbers<[1], [0], [0], [1], [0, 0, 1, 1], [], []>, transpose_lhs_hint = false} : vector<2000x50xf32>, vector<50x2xf32>, vector<2000x2xf32> -> vector<2000x2xf32>
    %get3A_17 = arith.constant 0 : index
    %get3A_18 = arith.constant 0 : index
    %get3A_19 = vector.load %arg3[%get3A_17, %get3A_18] : memref<1x2xf32, #tpu.memory_space<vmem>>, vector<1x2xf32>
    %add3A_20 = vector.broadcast %get3A_19 : vector<1x2xf32> to vector<2000x2xf32>
    %add3A_21 = arith.addf %dot_general3A_16, %add3A_20 : vector<2000x2xf32>
    %swap3A = arith.constant 0 : index
    %swap3A_22 = arith.constant 0 : index
    %swap3A_23 = vector.load %arg6[%swap3A, %swap3A_22] : memref<2000x2xf32, #tpu.memory_space<vmem>>, vector<2000x2xf32>
    tpu.vector_store %arg6[%swap3A, %swap3A_22], %add3A_21 {strides = array<i32>} : memref<2000x2xf32, #tpu.memory_space<vmem>>, vector<2000x2xf32>,
    return
  }
}

</mosaic_0001>

<sc_bundles>
// kernel: kernel.5.cloned.1.call-start
scs
__scs_entry_jumppad:
0x0: {  	(pc) =	sbr.rel $0x88, $3  }
0x1: {  	(tag) =	ssettag $0x0;
	lr =	simm.s32 $0x1  }
0x2: {  	[smem:$0x3F9A] =	sst lr;
	_ =	strace $0xD0000000  }
0x3: {  	_ = 	snop  }
0x4: {  	_ = 	snop  }
0x5: {  	_ = 	snop  }
0x6: {  	_ = 	snop  }
0x7: {  	_ = 	snop  }
__scs_overlays_trampoline_lowered:
0x8: {  	[smem:$0x3FA9] =	sst s0  }
0x9: {  	[smem:$0x3FAA] =	sst s1  }
0xa: {  	[smem:$0x3FAB] =	sst s2  }
0xb: {  	[smem:$0x3FAC] =	sst s3  }
0xc: {  	[smem:$0x3FAD] =	sst s4  }
0xd: {  	[smem:$0x3FAE] =	sst s5  }
0xe: {  	[smem:$0x3FAF] =	sst s6  }
0xf: {  	[smem:$0x3FB0] =	sst s7  }
0x10: {  	[smem:$0x3FB1] =	sst s8  }
0x11: {  	[smem:$0x3FB2] =	sst s9;
	s0 =	simm.s32 @!p0 $0x0  }
0x12: {  	s1 =	sld [smem:$0x3F98];
	s0 =	simm.s32 @p0 $0x1  }
0x13: {  	[smem:$0x3FB3] =	sst s0;
	s0 =	simm.s32 @!p1 $0x0  }
0x14: {  	s2 =	sld [smem:$0x3F97];
	s0 =	simm.s32 @p1 $0x1  }
0x15: {  	[smem:$0x3FB4] =	sst s0;
	s0 =	simm.s32 @!p2 $0x0  }
0x16: {  	s3 =	sld [smem:$0x3FDB];
	s0 =	simm.s32 @p2 $0x1  }
0x17: {  	s4 =	simm.s32 $0x1BF5;
	[smem:$0x3FB6] =	sst s0  }
0x18: {  	s0 =	sld [smem:$0x3F99];
	_ =	swait.ge [sflag:s4], $0x0  }
0x19: {  	s7 =	sld [smem:$0x3F9A]  }
0x1a: {  	s8 =	sadd.s32 $0xFFFFE003, lr  }
0x1b: {  	s9 =	sadd.s32 $0xFFFFFEF7, lr;
	s5 =	simm.s32 $0xFFFFFFFF;
	p2 =	slt.u32 s8, $0xFFFFF086  }
0x1c: {  	p1 =	slt.u32 s9, $0xF7A;
	s5 =	simm.s32 @!p2 $0x0  }
0x1d: {  	s5 =	simm.s32 @p1 $0x1;
	p0 =	seq.s32 s7, s2  }
0x1e: {  	s7 =	smul.u32 @!p0 $0xF7A, s2;
	p2 =	seq.s32 @!p0 s5, $0x0  }
0x1f: {  	s9 =	smul.u32 $0xF7A, s1;
	s8 =	simm.s32 @!p0 $0x1BF5;
	p2 =	por !p2, p0  }
0x20: {  	[sflag:s8] =	ssyncset.s32 @!p0 $0xFFFFF086;
	s6 =	sadd.s32 @!p0 s3, s7;
	s7 =	simm.s32 @!p0 $0x108  }
0x21: {  	s3 =	sadd.s32 s3, s9;
	s6 =	sadd.s32 @!p0 $0x88, s6;
	s7 =	simm.s32 @p2 $0x1082  }
0x22: {  	[simem:s7], [sflag:s8] =	dma.local @!p0 [hbm:s6], $0xF7A  }
0x23: {  	s9 =	sor.u32 $0xD0000000, s2;
	s6 =	simm.s32 $0x108;
	_ =	swait.ge @!p0 [sflag:s8], $0x0  }
0x24: {  	s3 =	sadd.s32 $0x88, s3;
	s6 =	simm.s32 @!p1 $0x1082;
	[sflag:s4] =	ssyncset.s32 $0xFFFFF086  }
0x25: {  	[simem:s6], [sflag:s4] =	dma.local [hbm:s3], $0xF7A  }
0x26: {  	[smem:$0x3F9A] =	sst s1;
	(tag) =	ssettag s2;
	_ =	strace s9  }
0x27: {  	s1 =	sld [smem:$0x3FAA]  }
0x28: {  	s2 =	sld [smem:$0x3FAB]  }
0x29: {  	s4 =	sld [smem:$0x3FAD]  }
0x2a: {  	p0 =	seq.s32 s5, $0x0;
	s5 =	sld [smem:$0x3FAE]  }
0x2b: {  	s6 =	sld [smem:$0x3FAF]  }
0x2c: {  	s7 =	sld [smem:$0x3FB0]  }
0x2d: {  	s3 =	simm.s32 $0x108;
	s8 =	sld [smem:$0x3FB1]  }
0x2e: {  	s3 =	simm.s32 @!p0 $0x1082;
	s9 =	sld [smem:$0x3FB2]  }
0x2f: {  	lr =	sadd.s32 s0, s3;
	s0 =	sld [smem:$0x3FA9]  }
0x30: {  	s3 =	sld [smem:$0x3FAC]  }
0x31: {  	[smem:$0x3FB5] =	sst s10  }
0x32: {  	s10 =	sld [smem:$0x3FB3];
	_ =	sdelay $0x3  }
0x33: {  	p0 =	seq.s32 s10, $0x1;
	s10 =	sld [smem:$0x3FB5];
	_ =	sdelay $0x3  }
0x34: {  	[smem:$0x3FB5] =	sst s10  }
0x35: {  	s10 =	sld [smem:$0x3FB4];
	_ =	sdelay $0x3  }
0x36: {  	p1 =	seq.s32 s10, $0x1;
	s10 =	sld [smem:$0x3FB5];
	_ =	sdelay $0x3  }
0x37: {  	[smem:$0x3FB5] =	sst s10  }
0x38: {  	s10 =	sld [smem:$0x3FB6]  }
0x39: {  	_ = 	snop;
	(pc) =	sbr.ind lr, $3  }
0x3a: {  	_ = 	snop  }
0x3b: {  	_ = 	snop  }
0x3c: {  	p2 =	seq.s32 s10, $0x1;
	s10 =	sld [smem:$0x3FB5]  }
0x3d: {  	_ =	shalt  }
0x3e: {  	_ =	shalt  }
0x3f: {  	_ =	shalt  }
0x40: {  	_ =	shalt  }
0x41: {  	_ =	shalt  }
0x42: {  	_ =	shalt  }
0x43: {  	_ =	shalt  }
0x44: {  	_ =	shalt  }
0x45: {  	_ =	shalt  }
0x46: {  	_ =	shalt  }
0x47: {  	_ =	shalt  }
0x48: {  	_ =	shalt  }
0x49: {  	_ =	shalt  }
0x4a: {  	_ =	shalt  }
0x4b: {  	_ =	shalt  }
0x4c: {  	_ =	shalt  }
0x4d: {  	_ =	shalt  }
0x4e: {  	_ =	shalt  }
0x4f: {  	_ =	shalt  }
0x50: {  	_ =	shalt  }
0x51: {  	_ =	shalt  }
0x52: {  	_ =	shalt  }
0x53: {  	_ =	shalt  }
0x54: {  	_ =	shalt  }
0x55: {  	_ =	shalt  }
0x56: {  	_ =	shalt  }
0x57: {  	_ =	shalt  }
0x58: {  	_ =	shalt  }
0x59: {  	_ =	shalt  }
0x5a: {  	_ =	shalt  }
0x5b: {  	_ =	shalt  }
0x5c: {  	_ =	shalt  }
0x5d: {  	_ =	shalt  }
0x5e: {  	_ =	shalt  }
0x5f: {  	_ =	shalt  }
0x60: {  	_ =	shalt  }
0x61: {  	_ =	shalt  }
0x62: {  	_ =	shalt  }
0x63: {  	_ =	shalt  }
0x64: {  	_ =	shalt  }
0x65: {  	_ =	shalt  }
0x66: {  	_ =	shalt  }
0x67: {  	_ =	shalt  }
0x68: {  	_ =	shalt  }
0x69: {  	_ =	shalt  }
0x6a: {  	_ =	shalt  }
0x6b: {  	_ =	shalt  }
0x6c: {  	_ =	shalt  }
0x6d: {  	_ =	shalt  }
0x6e: {  	_ =	shalt  }
0x6f: {  	_ =	shalt  }
0x70: {  	_ =	shalt  }
0x71: {  	_ =	shalt  }
0x72: {  	_ =	shalt  }
0x73: {  	_ =	shalt  }
0x74: {  	_ =	shalt  }
0x75: {  	_ =	shalt  }
0x76: {  	_ =	shalt  }
0x77: {  	_ =	shalt  }
0x78: {  	_ =	shalt  }
0x79: {  	_ =	shalt  }
0x7a: {  	_ =	shalt  }
0x7b: {  	_ =	shalt  }
0x7c: {  	_ =	shalt  }
0x7d: {  	_ =	shalt  }
0x7e: {  	_ =	shalt  }
0x7f: {  	_ =	shalt  }
0x80: {  	_ =	shalt  }
0x81: {  	_ =	shalt  }
0x82: {  	_ =	shalt  }
0x83: {  	_ =	shalt  }
0x84: {  	_ =	shalt  }
0x85: {  	_ =	shalt  }
0x86: {  	_ =	shalt  }
0x87: {  	_ =	shalt  }
.Lfunc_end0:
.L_simem_size_0:
called_computation_lowered:
.L_overlay_start_0:
0x88: {  	s2 =	sld [smem:$0x3FD9]  }
0x89: {  	s3 =	sld [smem:$0x3FFE];
	_ =	sdelay $0x1  }
0x8a: {  	s1 =	srdreg.scid  }
0x8b: {  	s0 =	sand.u32 $0x1, s1  }
0x8c: {  	s17 =	sshll.u32 s0, $0xA;
	s2 =	sadd.s32 s3, s2  }
0x8d: {  	s2 =	sadd.s32 s2, s17  }
0x8e: {  	[smem:$0x3FC1] =	sst s2  }
0x8f: {  	_ = 	snop  }
0x90: {  	s2 =	sld [smem:$0x3FC8];
	(tm) =	ssettm $0x1  }
0x91: {  	s18 =	sld [smem:$0x3FFB];
	_ =	sdelay $0x3  }
0x92: {  	_ =	strace s18  }
0x93: {  	s3 =	sld [smem:$0x3FFC];
	_ =	sdelay $0x3  }
0x94: {  	_ =	strace s3  }
0x95: {  	s3 =	sld [smem:$0x3FFD];
	_ =	sdelay $0x3  }
0x96: {  	_ =	strace s3  }
0x97: {  	_ =	strace $0x8FFFFFFF  }
0x98: {  	s19 =	sld [smem:$0x3FDB];
	_ =	sdelay $0x1  }
0x99: {  	s4 =	simm.s32 $_scs_section_size  }
0x9a: {  	s5 =	simm.s32 $_size__tile_overlayer_lowered;
	s6 =	simm.s32 $_tile_overlayer_lowered  }
0x9b: {  	s22 =	simm.s32 $0x1BFF;
	s21 =	sshll.u32 s6, $0x1;
	s3 =	sadd.s32 s4, s19  }
0x9c: {  	s7 =	simm.s32 $0x0;
	s20 =	sshll.u32 s5, $0x1;
	s5 =	sadd.s32 s21, s3  }
0x9d: {  	[timem:s7], [sflag:s22] =	dma.local [hbm:s5], s20  }
0x9e: {  	_ =	swait.ge [sflag:s22], s20  }
0x9f: {  	s4 =	ssub.s32 $0x0, s20;
	[sflag:s22] =	ssyncset.done $0x0  }
0xa0: {  	[sflag:s22] =	ssyncadd.s32 s4;
	_ =	sdelay $0x1  }
0xa1: {  	s23 =	simm.s32 $0x1B8B  }
0xa2: {  	_ =	swait.ge [sflag:s23], $0x1  }
0xa3: {  	[sflag:s23] =	ssyncset.done $0x0  }
0xa4: {  	s25 =	simm.s32 $0x1B8E;
	s24 =	sld [smem:$0x3FFE];
	[sflag:s23] =	ssyncadd.s32 $0xFFFFFFFF  }
0xa5: {  	s26 =	simm.s32 $execute0_lowered;
	[smem:$0x3FD2] =	sst s25  }
0xa6: {  	s5 =	sshll.u32 s26, $0x1;
	_ =	strace $0x80000046;
	[dreg:$0x1] =	wrdreg $0xFFFFFFFF  }
0xa7: {  	s28 =	simm.s32 $_size_execute0_lowered;
	s3 =	sadd.s32 s3, s5;
	[dreg:$0x0] =	wrdreg $0x0  }
0xa8: {  	s5 =	sshll.u32 s28, $0x1;
	[dreg:$0x2] =	wrdreg s3  }
0xa9: {  	[dreg:$0x3] =	wrdreg s5  }
0xaa: {  	[dreg:$0x4] =	wrdreg $0xC0  }
0xab: {  	_ =	task [dreg:s7], $0x5FFFF  }
0xac: {  	[dreg:$0x1] =	wrdreg $0xFFFFFFFF  }
0xad: {  	[dreg:$0x0] =	wrdreg $0x60  }
0xae: {  	[dreg:$0x2] =	wrdreg s2  }
0xaf: {  	[dreg:$0x3] =	wrdreg s24  }
0xb0: {  	[dreg:$0x4] =	wrdreg $0xC7800  }
0xb1: {  	[dreg:$0x5] =	wrdreg $0x9  }
0xb2: {  	_ =	task.clear_ibuf [dreg:s7], $0x6FFFF;
	_ =	strace $0x90000046  }
0xb3: {  	s29 =	simm.s32 $0x9;
	_ =	strace $0x80000048  }
0xb4: {  	_ =	swait.ge [sflag:s29], $0x1  }
0xb5: {  	[sflag:s29] =	ssyncadd.s32 $0xFFFFFFFF  }
0xb6: {  	_ =	strace $0x90000048  }
0xb7: {  	_ =	sfence  }
0xb8: {  	s30 =	sld [smem:$0x0];
	_ =	sdelay $0x2  }
0xb9: {  	s31 =	sshll.u32 s1, $0xD;
	s1 =	sshrl.u32 s1, $0x2  }
0xba: {  	s3 =	sand.u32 $0x4000, s31;
	s1 =	sadd.s32 s1, s30  }
0xbb: {  	s0 =	sor.u32 s3, s0;
	s1 =	sshll.u32 s1, $0x11  }
0xbc: {  	s0 =	sor.u32 s1, s0  }
0xbd: {  	s0 =	sadd.s32 $0x8F2B, s0  }
0xbe: {  	[sflag:s0] =	ssyncadd.remote.s32 $0x1  }
0xbf: {  	_ =	sfence.sel $0xFFFF  }
0xc0: {  	[dreg:$0x0] =	wrdreg $0xFFFFFFFF;
	(pc) =	sbr.abs _section_cstart, $3  }
0xc1: {  	[dreg:$0x1] =	wrdreg $0xFFFFFFFF  }
0xc2: {  	_ =	task.clear_ibuf [dreg:s7], $0x2FFFF;
	_ =	strace $0x9FFFFFFF  }
0xc3: {  	(tm) =	ssettm $0x7FFFFFFF  }
tec
execute0_lowered:
.L_overlay_start_1:
0x0: {  	(tag) =	ssettag $0x1  }
0x1: {  	s1 =	rddreg [dreg:$0x0]  }
0x2: {  	s6 =	rddreg [dreg:$0x1]  }
0x3: {  	s3 =	rddreg [dreg:$0x2]  }
0x4: {  	s0 =	rddreg [dreg:$0x3]  }
0x5: {  	s5 =	srdreg.scid;
	s2 =	stileid.u32;
	s4 =	simm.s32 $0x0  }
0x6: {  	s12 =	simm.s32 $0x5;
	s13 =	simm.s32 $0x1;
	s14 =	simm.s32 $0x1900  }
0x7: {  	s15 =	simm.s32 $0x6400;
	s16 =	simm.s32 $0x9600;
	s17 =	simm.s32 $0x2  }
0x8: {  	s18 =	simm.s32 $0x7D00;
	s19 =	simm.s32 $0x3;
	s20 =	simm.s32 $0x4  }
0x9: {  	s21 =	simm.s32 $0x0;
	s5 =	sand.u32 $0x1, s5;
	s7 =	smul.u32 $0x1870, s2  }
0xa: {  	[smem:$0x7FF] =	sst s4;
	s10 =	sshll.u32 s2, $0x1;
	p0 =	slt.u32 s2, $0xD  }
0xb: {  	s8 =	smul.u32 $0x18700, s5;
	_ =	strace $0x80000047;
	s9 =	ssub.s32 $0x2, s5  }
.Ltmp0:
0xc: {  	s5 =	sor.u32 s5, s10;
	s11 =	sshrl.u32 s9, $0x1;
	(pc) =	sbr.rel .LBB2_1-.Ltmp0, $4  }
0xd: {  	s31 =	smul.u32 $0x640, s5;
	s8 =	sadd.s32 s7, s8;
	s11 =	ssub.s32 s9, s11  }
0xe: {  	s8 =	sshrl.u32 s8, $0x3;
	s10 =	smax.u32 s11, $0x1;
	s11 =	simm.s32 $0xAF00  }
0xf: {  	s30 =	sadd.s32 s8, s6;
	s6 =	sadd.s32 s7, s3;
	s7 =	simm.s32 $0x8  }
0x10: {  	v0 =	vimm.f32 $1.000000000e+00;
	v1 =	vimm.f32 $0.0e+00;
	s8 =	sadd.s32 s1, s31;
	s7 =	simm.s32 @!p0 $0x7;
	s9 =	sadd.s32 $0x1000, s30  }
.LBB2_13:
0x11: {  	_ =	swait.ge [sflag:s19], $0x1900  }
0x12: {  	[sflag:s19] =	ssyncset.done $0x0  }
0x13: {  	[sflag:s19] =	ssyncadd.s32 $0xFFFFE700  }
0x14: {  	_ =	swait.ge [sflag:s20], $0x1900  }
0x15: {  	[sflag:s20] =	ssyncset.done $0x0  }
0x16: {  	[sflag:s20] =	ssyncadd.s32 $0xFFFFE700  }
0x17: {  	[bflag:$0x0] =	sbarrier.arrive $0xFFFF  }
0x18: {  	[tilespmem:s11], [sflag:$0x5] =	stream.linear.gather [spmem:s6], $0x1870, $0x38;
	[tilespmem:$0xDFF0] =	vst v63  }
0x19: {  	s21 =	sadd.s32 $0x1, s21;
	_ =	swait.ge [sflag:s12], $0x1870  }
0x1a: {  	p0 =	sne.s32 s21, s10;
	[sflag:s12] =	ssyncset.done $0x0  }
.Ltmp1:
0x1b: {  	[sflag:s12] =	ssyncadd.s32 $0xFFFFE790;
	(pc) =	sbr.rel @!p0 .LBB2_14-.Ltmp1, $4  }
0x1c: {  	[hbm4b:s9+s4] =	stream.linear.scatter [tilespmem:s11], [sflag:$0x5], $0x1870, $0x38;
	[tilespmem:$0xDFF0] =	vst v63  }
0x1d: {  	_ =	swait.ge [sflag:s12], $0x1870  }
0x1e: {  	[sflag:s12] =	ssyncset.done $0x0  }
0x1f: {  	[sflag:s12] =	ssyncadd.s32 $0xFFFFE790  }
.LBB2_1:
0x20: {  	s22 =	simm.s32 $0x0  }
.LBB2_2:
0x21: {  	p0 =	sne.s32 s22, $0x63C0  }
.Ltmp2:
0x22: {  	_ = 	snop;
	(pc) =	sbr.rel @p0 .LBB2_2-.Ltmp2, $3  }
0x23: {  	_ =	sdelay $0x1  }
0x24: {  	s23 =	sshra.s32 s22, $0x2  }
0x25: {  	s22 =	sadd.s32 $0x40, s22;
	[tilespmem:s23+$0x9600] =	vst v0  }
0x26: {  	s22 =	simm.s32 $0x40;
	s23 =	simm.s32 $0x0  }
.LBB2_4:
0x27: {  	p0 =	sne.s32 s22, $0x6180;
	[tilespmem:s23+$0xAF00] =	vst v1;
	s23 =	smov.u32 s22;
	s22 =	sadd.s32 $0x40, s22  }
.Ltmp3:
0x28: {  	(pc) =	sbr.rel @p0 .LBB2_4-.Ltmp3, $2  }
0x29: {  	_ =	sdelay $0x2  }
0x2a: {  	s23 =	sshra.s32 s23, $0x2  }
0x2b: {  	[tilespmem:s23+$0xAF00] =	vst v1  }
0x2c: {  	[spmem:s6] =	stream.linear.scatter [tilespmem:s11], [sflag:$0x5], $0x1870, $0x38;
	[tilespmem:$0xDFF0] =	vst v63  }
.Ltmp4:
0x2d: {  	_ =	swait.ge [sflag:s12], $0x1870;
	(pc) =	sbr.rel .LBB2_6-.Ltmp4, $4  }
0x2e: {  	[sflag:s12] =	ssyncset.done $0x0  }
0x2f: {  	[sflag:s12] =	ssyncadd.s32 $0xFFFFE790  }
0x30: {  	s22 =	simm.s32 $0x0;
	s23 =	simm.s32 $0x0;
	[bflag:$0x0] =	sbarrier.arrive $0xFFFF  }
0x31: {  	[tilespmem:s22], [sflag:$0x1] =	stream.linear.gather [hbm4b:s8+s22], $0x3200, $0x38;
	[tilespmem:$0xDFF0] =	vst v63  }
.LBB2_12:
0x32: {  	s23 =	sadd.s32 $0x1, s23  }
0x33: {  	p0 =	sne.s32 s23, $0x4  }
.Ltmp5:
0x34: {  	_ = 	snop;
	(pc) =	sbr.rel @!p0 .LBB2_13-.Ltmp5, $1  }
0x35: {  	_ =	sdelay $0x3  }
.LBB2_6:
0x36: {  	s24 =	sshllo.u32 s23, $0x1  }
0x37: {  	p1 =	sge.u32 s24, s7  }
0x38: {  	s24 =	sshll.u32 @!p1 s24, $0x5  }
0x39: {  	s24 =	sor.u32 @!p1 s5, s24  }
0x3a: {  	s24 =	smul.u32 @!p1 $0x640, s24;
	_ =	sdelay $0x1  }
0x3b: {  	s25 =	simm.s32 @!p1 $0x0;
	s26 =	simm.s32 @!p1 $0x3200;
	s24 =	sadd.s32 @!p1 s1, s24  }
0x3c: {  	[tilespmem:s26], [sflag:$0x2] =	stream.linear.gather @!p1 [hbm4b:s24+s25], $0x3200, $0x38;
	[tilespmem:$0xDFF0] =	vst v63  }
0x3d: {  	_ =	swait.ge [sflag:s13], $0x3200  }
0x3e: {  	p0 =	seq.s32 s23, $0x0;
	[sflag:s13] =	ssyncset.done $0x0  }
0x3f: {  	s24 =	simm.s32 @!p0 $0x3;
	[sflag:s13] =	ssyncadd.s32 $0xFFFFCE00  }
0x40: {  	s30 =	sand.u32 $0xFC00, s22;
	_ =	swait.ge @!p0 [sflag:s24], $0x1900  }
0x41: {  	s31 =	sand.u32 $0x70, s22;
	s25 =	sshrl.u32 s30, $0x2;
	[sflag:s24] =	ssyncset.done @!p0 $0x0  }
0x42: {  	s26 =	sor.u32 s31, s25;
	[sflag:s24] =	ssyncadd.s32 @!p0 $0xFFFFE700  }
0x43: {  	v2 =	vld [tilespmem:s26+$0x80];
	_ =	sdelay $0x1  }
0x44: {  	s29 =	simm.s32 $0x80  }
0x45: {  	s30 =	simm.s32 $0x10;
	s31 =	sand.u32 $0xFC00, s29  }
0x46: {  	s25 =	sand.u32 $0x70, s30;
	s24 =	simm.s32 $0x6400;
	s26 =	sshrl.u32 s31, $0x2  }
0x47: {  	s28 =	sor.u32 s25, s26;
	[tilespmem:s24+$0x0] =	vst v2  }
0x48: {  	v2 =	vld [tilespmem:s28+$0x80]  }
0x49: {  	s25 =	sshll.u32 s23, $0x1;
	s26 =	simm.s32 $0x20;
	s28 =	simm.s32 $0x100  }
.LBB2_7:
0x4a: {  	s29 =	sand.u32 $0xFC00, s28;
	p2 =	sne.s32 s26, $0x18F0  }
0x4b: {  	s30 =	smov.u32 s26;
	s26 =	sadd.s32 $0x10, s26;
	s24 =	sadd.s32 $0x10, s24  }
.Ltmp6:
0x4c: {  	s30 =	sand.u32 $0x70, s30;
	s29 =	sshrl.u32 s29, $0x2;
	(pc) =	sbr.rel @p2 .LBB2_7-.Ltmp6, $3  }
0x4d: {  	s29 =	sor.u32 s30, s29;
	[tilespmem:s24+$0x0] =	vst v2  }
0x4e: {  	v2 =	vld [tilespmem:s29+$0x80];
	_ =	sdelay $0x1  }
0x4f: {  	s28 =	sadd.s32 $0x80, s28  }
0x50: {  	s25 =	sadd.s32 $0x2, s25  }
0x51: {  	p2 =	sge.u32 s25, s7  }
0x52: {  	s25 =	sshll.u32 @!p2 s25, $0x5  }
.Ltmp7:
0x53: {  	s24 =	sadd.s32 $0x10, s24;
	s25 =	sor.u32 @!p2 s5, s25;
	(pc) =	sbr.rel @p1 .LBB2_12-.Ltmp7, $4  }
0x54: {  	[tilespmem:s24+$0x0] =	vst v2;
	s24 =	smul.u32 @!p2 $0x640, s25  }
0x55: {  	[spmem:s3] =	stream.indirect.scatter.add.f32 [tilespmem:s16], [sflag:$0x3], $0x1, s15, s14, $0xb8;
	[tilespmem:$0xDFF0] =	vst v63  }
0x56: {  	s25 =	simm.s32 @!p2 $0x0;
	s24 =	sadd.s32 @!p2 s1, s24  }
0x57: {  	[tilespmem:s25], [sflag:$0x1] =	stream.linear.gather @!p2 [hbm4b:s24+s25], $0x3200, $0x38;
	[tilespmem:$0xDFF0] =	vst v63  }
0x58: {  	_ =	swait.ge [sflag:s17], $0x3200  }
0x59: {  	[sflag:s17] =	ssyncset.done $0x0  }
0x5a: {  	s24 =	simm.s32 @!p0 $0x4;
	s25 =	simm.s32 $0x0;
	[sflag:s17] =	ssyncadd.s32 $0xFFFFCE00  }
0x5b: {  	s26 =	sand.u32 $0xFC00, s25;
	_ =	swait.ge @!p0 [sflag:s24], $0x1900  }
0x5c: {  	s25 =	sand.u32 $0x70, s25;
	s26 =	sshrl.u32 s26, $0x2;
	[sflag:s24] =	ssyncset.done @!p0 $0x0  }
0x5d: {  	s28 =	sor.u32 s25, s26;
	[sflag:s24] =	ssyncadd.s32 @!p0 $0xFFFFE700  }
0x5e: {  	v2 =	vld [tilespmem:s28+$0x3280];
	_ =	sdelay $0x1  }
0x5f: {  	s29 =	simm.s32 $0x80  }
0x60: {  	s30 =	simm.s32 $0x10;
	s31 =	sand.u32 $0xFC00, s29  }
0x61: {  	s25 =	sand.u32 $0x70, s30;
	s26 =	sshrl.u32 s31, $0x2;
	s24 =	simm.s32 $0x7D00  }
0x62: {  	s26 =	sor.u32 s25, s26;
	[tilespmem:s24+$0x0] =	vst v2  }
0x63: {  	v2 =	vld [tilespmem:s26+$0x3280]  }
0x64: {  	s25 =	simm.s32 $0x20;
	s26 =	simm.s32 $0x100  }
.LBB2_10:
0x65: {  	s28 =	sand.u32 $0xFC00, s26;
	p0 =	sne.s32 s25, $0x18F0  }
0x66: {  	s29 =	smov.u32 s25;
	s25 =	sadd.s32 $0x10, s25;
	s24 =	sadd.s32 $0x10, s24  }
.Ltmp8:
0x67: {  	s29 =	sand.u32 $0x70, s29;
	s28 =	sshrl.u32 s28, $0x2;
	(pc) =	sbr.rel @p0 .LBB2_10-.Ltmp8, $3  }
0x68: {  	s28 =	sor.u32 s29, s28;
	[tilespmem:s24+$0x0] =	vst v2  }
0x69: {  	v2 =	vld [tilespmem:s28+$0x3280];
	_ =	sdelay $0x1  }
0x6a: {  	s26 =	sadd.s32 $0x80, s26  }
.Ltmp9:
0x6b: {  	(pc) =	sbr.rel .LBB2_12-.Ltmp9, $4  }
0x6c: {  	_ = 	snop  }
0x6d: {  	s24 =	sadd.s32 $0x10, s24  }
0x6e: {  	[tilespmem:s24+$0x0] =	vst v2  }
0x6f: {  	[spmem:s3] =	stream.indirect.scatter.add.f32 [tilespmem:s16], [sflag:$0x4], $0x1, s18, s14, $0xb8;
	[tilespmem:$0xDFF0] =	vst v63  }
.LBB2_14:
0x70: {  	_ =	sfence.sel $0x180000  }
0x71: {  	[bflag:$0x0] =	sbarrier.arrive $0xFFFF  }
0x72: {  	p0 =	sne.s32 s2, $0x0;
	_ =	strace $0x90000047  }
0x73: {  	s0 =	sadd.s32 @!p0 $0x100000, s0;
	[bflag:$0x2] =	sbarrier.arrive $0xFFFF  }
0x74: {  	[sflag:s0] =	ssyncadd.tile.s32 @!p0 $0x1;
	_ =	shalt  }
.Lfunc_end2:
_tile_overlayer_lowered:
.L_overlay_start_2:
0x75: {  	(tag) =	ssettag $0x2  }
0x76: {  	s0 =	rddreg [dreg:$0x0];
	s2 =	stileid.u32  }
0x77: {  	s1 =	rddreg [dreg:$0x1];
	p0 =	sne.s32 s2, $0x0  }
0x78: {  	s3 =	rddreg [dreg:$0x2];
	[bflag:$0x3] =	sbarrier.arrive $0xFFFF;
	s2 =	simm.s32 @!p0 $0x1C05  }
0x79: {  	[timem:s3], [sflag:s2] =	dma.local @!p0 [hbm:s0], s1  }
0x7a: {  	s0 =	simm.s32 @!p0 $0x5  }
0x7b: {  	_ =	swait.ge @!p0 [sflag:s0], s1  }
0x7c: {  	s1 =	ssub.s32 @!p0 $0x0, s1;
	[sflag:s0] =	ssyncset.done @!p0 $0x0  }
0x7d: {  	[sflag:s0] =	ssyncadd.s32 @!p0 s1  }
0x7e: {  	[bflag:$0x3] =	sbarrier.arrive $0xFFFF  }
0x7f: {  	_ =	shalt  }

// kernel: kernel.8.cloned.1.call-start
scs
__scs_entry_jumppad:
0x0: {  	(pc) =	sbr.rel $0x88, $3  }
0x1: {  	(tag) =	ssettag $0x0;
	lr =	simm.s32 $0x1  }
0x2: {  	[smem:$0x3F9A] =	sst lr;
	_ =	strace $0xD0000000  }
0x3: {  	_ = 	snop  }
0x4: {  	_ = 	snop  }
0x5: {  	_ = 	snop  }
0x6: {  	_ = 	snop  }
0x7: {  	_ = 	snop  }
__scs_overlays_trampoline_lowered:
0x8: {  	[smem:$0x3FA9] =	sst s0  }
0x9: {  	[smem:$0x3FAA] =	sst s1  }
0xa: {  	[smem:$0x3FAB] =	sst s2  }
0xb: {  	[smem:$0x3FAC] =	sst s3  }
0xc: {  	[smem:$0x3FAD] =	sst s4  }
0xd: {  	[smem:$0x3FAE] =	sst s5  }
0xe: {  	[smem:$0x3FAF] =	sst s6  }
0xf: {  	[smem:$0x3FB0] =	sst s7  }
0x10: {  	[smem:$0x3FB1] =	sst s8  }
0x11: {  	[smem:$0x3FB2] =	sst s9;
	s0 =	simm.s32 @!p0 $0x0  }
0x12: {  	s1 =	sld [smem:$0x3F98];
	s0 =	simm.s32 @p0 $0x1  }
0x13: {  	[smem:$0x3FB3] =	sst s0;
	s0 =	simm.s32 @!p1 $0x0  }
0x14: {  	s2 =	sld [smem:$0x3F97];
	s0 =	simm.s32 @p1 $0x1  }
0x15: {  	[smem:$0x3FB4] =	sst s0;
	s0 =	simm.s32 @!p2 $0x0  }
0x16: {  	s3 =	sld [smem:$0x3FDB];
	s0 =	simm.s32 @p2 $0x1  }
0x17: {  	s4 =	simm.s32 $0x1BF5;
	[smem:$0x3FB6] =	sst s0  }
0x18: {  	s0 =	sld [smem:$0x3F99];
	_ =	swait.ge [sflag:s4], $0x0  }
0x19: {  	s7 =	sld [smem:$0x3F9A]  }
0x1a: {  	s8 =	sadd.s32 $0xFFFFE003, lr  }
0x1b: {  	s9 =	sadd.s32 $0xFFFFFEF7, lr;
	s5 =	simm.s32 $0xFFFFFFFF;
	p2 =	slt.u32 s8, $0xFFFFF086  }
0x1c: {  	p1 =	slt.u32 s9, $0xF7A;
	s5 =	simm.s32 @!p2 $0x0  }
0x1d: {  	s5 =	simm.s32 @p1 $0x1;
	p0 =	seq.s32 s7, s2  }
0x1e: {  	s7 =	smul.u32 @!p0 $0xF7A, s2;
	p2 =	seq.s32 @!p0 s5, $0x0  }
0x1f: {  	s9 =	smul.u32 $0xF7A, s1;
	s8 =	simm.s32 @!p0 $0x1BF5;
	p2 =	por !p2, p0  }
0x20: {  	[sflag:s8] =	ssyncset.s32 @!p0 $0xFFFFF086;
	s6 =	sadd.s32 @!p0 s3, s7;
	s7 =	simm.s32 @!p0 $0x108  }
0x21: {  	s3 =	sadd.s32 s3, s9;
	s6 =	sadd.s32 @!p0 $0x88, s6;
	s7 =	simm.s32 @p2 $0x1082  }
0x22: {  	[simem:s7], [sflag:s8] =	dma.local @!p0 [hbm:s6], $0xF7A  }
0x23: {  	s9 =	sor.u32 $0xD0000000, s2;
	s6 =	simm.s32 $0x108;
	_ =	swait.ge @!p0 [sflag:s8], $0x0  }
0x24: {  	s3 =	sadd.s32 $0x88, s3;
	s6 =	simm.s32 @!p1 $0x1082;
	[sflag:s4] =	ssyncset.s32 $0xFFFFF086  }
0x25: {  	[simem:s6], [sflag:s4] =	dma.local [hbm:s3], $0xF7A  }
0x26: {  	[smem:$0x3F9A] =	sst s1;
	(tag) =	ssettag s2;
	_ =	strace s9  }
0x27: {  	s1 =	sld [smem:$0x3FAA]  }
0x28: {  	s2 =	sld [smem:$0x3FAB]  }
0x29: {  	s4 =	sld [smem:$0x3FAD]  }
0x2a: {  	p0 =	seq.s32 s5, $0x0;
	s5 =	sld [smem:$0x3FAE]  }
0x2b: {  	s6 =	sld [smem:$0x3FAF]  }
0x2c: {  	s7 =	sld [smem:$0x3FB0]  }
0x2d: {  	s3 =	simm.s32 $0x108;
	s8 =	sld [smem:$0x3FB1]  }
0x2e: {  	s3 =	simm.s32 @!p0 $0x1082;
	s9 =	sld [smem:$0x3FB2]  }
0x2f: {  	lr =	sadd.s32 s0, s3;
	s0 =	sld [smem:$0x3FA9]  }
0x30: {  	s3 =	sld [smem:$0x3FAC]  }
0x31: {  	[smem:$0x3FB5] =	sst s10  }
0x32: {  	s10 =	sld [smem:$0x3FB3];
	_ =	sdelay $0x3  }
0x33: {  	p0 =	seq.s32 s10, $0x1;
	s10 =	sld [smem:$0x3FB5];
	_ =	sdelay $0x3  }
0x34: {  	[smem:$0x3FB5] =	sst s10  }
0x35: {  	s10 =	sld [smem:$0x3FB4];
	_ =	sdelay $0x3  }
0x36: {  	p1 =	seq.s32 s10, $0x1;
	s10 =	sld [smem:$0x3FB5];
	_ =	sdelay $0x3  }
0x37: {  	[smem:$0x3FB5] =	sst s10  }
0x38: {  	s10 =	sld [smem:$0x3FB6]  }
0x39: {  	_ = 	snop;
	(pc) =	sbr.ind lr, $3  }
0x3a: {  	_ = 	snop  }
0x3b: {  	_ = 	snop  }
0x3c: {  	p2 =	seq.s32 s10, $0x1;
	s10 =	sld [smem:$0x3FB5]  }
0x3d: {  	_ =	shalt  }
0x3e: {  	_ =	shalt  }
0x3f: {  	_ =	shalt  }
0x40: {  	_ =	shalt  }
0x41: {  	_ =	shalt  }
0x42: {  	_ =	shalt  }
0x43: {  	_ =	shalt  }
0x44: {  	_ =	shalt  }
0x45: {  	_ =	shalt  }
0x46: {  	_ =	shalt  }
0x47: {  	_ =	shalt  }
0x48: {  	_ =	shalt  }
0x49: {  	_ =	shalt  }
0x4a: {  	_ =	shalt  }
0x4b: {  	_ =	shalt  }
0x4c: {  	_ =	shalt  }
0x4d: {  	_ =	shalt  }
0x4e: {  	_ =	shalt  }
0x4f: {  	_ =	shalt  }
0x50: {  	_ =	shalt  }
0x51: {  	_ =	shalt  }
0x52: {  	_ =	shalt  }
0x53: {  	_ =	shalt  }
0x54: {  	_ =	shalt  }
0x55: {  	_ =	shalt  }
0x56: {  	_ =	shalt  }
0x57: {  	_ =	shalt  }
0x58: {  	_ =	shalt  }
0x59: {  	_ =	shalt  }
0x5a: {  	_ =	shalt  }
0x5b: {  	_ =	shalt  }
0x5c: {  	_ =	shalt  }
0x5d: {  	_ =	shalt  }
0x5e: {  	_ =	shalt  }
0x5f: {  	_ =	shalt  }
0x60: {  	_ =	shalt  }
0x61: {  	_ =	shalt  }
0x62: {  	_ =	shalt  }
0x63: {  	_ =	shalt  }
0x64: {  	_ =	shalt  }
0x65: {  	_ =	shalt  }
0x66: {  	_ =	shalt  }
0x67: {  	_ =	shalt  }
0x68: {  	_ =	shalt  }
0x69: {  	_ =	shalt  }
0x6a: {  	_ =	shalt  }
0x6b: {  	_ =	shalt  }
0x6c: {  	_ =	shalt  }
0x6d: {  	_ =	shalt  }
0x6e: {  	_ =	shalt  }
0x6f: {  	_ =	shalt  }
0x70: {  	_ =	shalt  }
0x71: {  	_ =	shalt  }
0x72: {  	_ =	shalt  }
0x73: {  	_ =	shalt  }
0x74: {  	_ =	shalt  }
0x75: {  	_ =	shalt  }
0x76: {  	_ =	shalt  }
0x77: {  	_ =	shalt  }
0x78: {  	_ =	shalt  }
0x79: {  	_ =	shalt  }
0x7a: {  	_ =	shalt  }
0x7b: {  	_ =	shalt  }
0x7c: {  	_ =	shalt  }
0x7d: {  	_ =	shalt  }
0x7e: {  	_ =	shalt  }
0x7f: {  	_ =	shalt  }
0x80: {  	_ =	shalt  }
0x81: {  	_ =	shalt  }
0x82: {  	_ =	shalt  }
0x83: {  	_ =	shalt  }
0x84: {  	_ =	shalt  }
0x85: {  	_ =	shalt  }
0x86: {  	_ =	shalt  }
0x87: {  	_ =	shalt  }
.Lfunc_end0:
.L_simem_size_0:
called_computation.1_lowered:
.L_overlay_start_0:
0x88: {  	s2 =	sld [smem:$0x3FD9]  }
0x89: {  	s3 =	sld [smem:$0x3FFE];
	_ =	sdelay $0x1  }
0x8a: {  	s1 =	srdreg.scid  }
0x8b: {  	s0 =	sand.u32 $0x1, s1  }
0x8c: {  	s16 =	sshll.u32 s0, $0xA;
	s2 =	sadd.s32 s3, s2  }
0x8d: {  	s2 =	sadd.s32 s2, s16  }
0x8e: {  	[smem:$0x3FC1] =	sst s2  }
0x8f: {  	_ = 	snop  }
0x90: {  	(tm) =	ssettm $0x1  }
0x91: {  	s17 =	sld [smem:$0x3FFB];
	_ =	sdelay $0x3  }
0x92: {  	_ =	strace s17  }
0x93: {  	s2 =	sld [smem:$0x3FFC];
	_ =	sdelay $0x3  }
0x94: {  	_ =	strace s2  }
0x95: {  	s2 =	sld [smem:$0x3FFD];
	_ =	sdelay $0x3  }
0x96: {  	_ =	strace s2  }
0x97: {  	_ =	strace $0x8FFFFFFF  }
0x98: {  	s18 =	sld [smem:$0x3FDB];
	_ =	sdelay $0x1  }
0x99: {  	s19 =	simm.s32 $_scs_section_size  }
0x9a: {  	s4 =	simm.s32 $_size__tile_overlayer_lowered;
	s5 =	simm.s32 $_tile_overlayer_lowered  }
0x9b: {  	s22 =	simm.s32 $0x1BFF;
	s21 =	sshll.u32 s5, $0x1;
	s2 =	sadd.s32 s19, s18  }
0x9c: {  	s6 =	simm.s32 $0x0;
	s20 =	sshll.u32 s4, $0x1;
	s4 =	sadd.s32 s21, s2  }
0x9d: {  	[timem:s6], [sflag:s22] =	dma.local [hbm:s4], s20  }
0x9e: {  	_ =	swait.ge [sflag:s22], s20  }
0x9f: {  	s3 =	ssub.s32 $0x0, s20;
	[sflag:s22] =	ssyncset.done $0x0  }
0xa0: {  	[sflag:s22] =	ssyncadd.s32 s3;
	_ =	sdelay $0x1  }
0xa1: {  	s23 =	simm.s32 $0x1B8B  }
0xa2: {  	_ =	swait.ge [sflag:s23], $0x1  }
0xa3: {  	[sflag:s23] =	ssyncset.done $0x0  }
0xa4: {  	s25 =	simm.s32 $0x1B8E;
	s24 =	sld [smem:$0x3FFE];
	[sflag:s23] =	ssyncadd.s32 $0xFFFFFFFF  }
0xa5: {  	s26 =	simm.s32 $execute0_lowered;
	[smem:$0x3FD2] =	sst s25  }
0xa6: {  	s4 =	sshll.u32 s26, $0x1;
	_ =	strace $0x80000049;
	[dreg:$0x1] =	wrdreg $0xFFFFFFFF  }
0xa7: {  	s28 =	simm.s32 $_size_execute0_lowered;
	s2 =	sadd.s32 s2, s4;
	[dreg:$0x0] =	wrdreg $0x0  }
0xa8: {  	s4 =	sshll.u32 s28, $0x1;
	[dreg:$0x2] =	wrdreg s2  }
0xa9: {  	[dreg:$0x3] =	wrdreg s4  }
0xaa: {  	[dreg:$0x4] =	wrdreg $0xC0  }
0xab: {  	_ =	task [dreg:s6], $0x5FFFF  }
0xac: {  	[dreg:$0x1] =	wrdreg $0xFFFFFFFF  }
0xad: {  	[dreg:$0x0] =	wrdreg $0x60  }
0xae: {  	[dreg:$0x2] =	wrdreg s24  }
0xaf: {  	[dreg:$0x3] =	wrdreg $0x159000  }
0xb0: {  	[dreg:$0x4] =	wrdreg $0x171700  }
0xb1: {  	[dreg:$0x5] =	wrdreg $0x9  }
0xb2: {  	_ =	task.clear_ibuf [dreg:s6], $0x6FFFF;
	_ =	strace $0x90000049  }
0xb3: {  	s29 =	simm.s32 $0x9;
	_ =	strace $0x8000004B  }
0xb4: {  	_ =	swait.ge [sflag:s29], $0x1  }
0xb5: {  	[sflag:s29] =	ssyncadd.s32 $0xFFFFFFFF  }
0xb6: {  	_ =	strace $0x9000004B  }
0xb7: {  	_ =	sfence  }
0xb8: {  	s30 =	sld [smem:$0x0];
	_ =	sdelay $0x2  }
0xb9: {  	s31 =	sshll.u32 s1, $0xD;
	s1 =	sshrl.u32 s1, $0x2  }
0xba: {  	s3 =	sand.u32 $0x4000, s31;
	s1 =	sadd.s32 s1, s30  }
0xbb: {  	s0 =	sor.u32 s3, s0;
	s1 =	sshll.u32 s1, $0x11  }
0xbc: {  	s0 =	sor.u32 s1, s0  }
0xbd: {  	s0 =	sadd.s32 $0x8F2B, s0  }
0xbe: {  	[sflag:s0] =	ssyncadd.remote.s32 $0x1  }
0xbf: {  	_ =	sfence.sel $0xFFFF  }
0xc0: {  	[dreg:$0x0] =	wrdreg $0xFFFFFFFF;
	(pc) =	sbr.abs _section_cstart, $3  }
0xc1: {  	[dreg:$0x1] =	wrdreg $0xFFFFFFFF  }
0xc2: {  	_ =	task.clear_ibuf [dreg:s6], $0x2FFFF;
	_ =	strace $0x9FFFFFFF  }
0xc3: {  	(tm) =	ssettm $0x7FFFFFFF  }
tec
execute0_lowered:
.L_overlay_start_1:
0x0: {  	(tag) =	ssettag $0x1  }
0x1: {  	s0 =	rddreg [dreg:$0x0]  }
0x2: {  	s1 =	srdreg.scid;
	s2 =	rddreg [dreg:$0x1]  }
0x3: {  	s11 =	stileid.u32;
	s3 =	rddreg [dreg:$0x2];
	s28 =	simm.s32 $0xDE00  }
0x4: {  	s31 =	simm.s32 $0x1;
	s29 =	simm.s32 $0x4F00;
	s30 =	simm.s32 $0x2780  }
0x5: {  	s1 =	sand.u32 $0x1, s1;
	s4 =	sshll.u32 s11, $0x1;
	s6 =	smul.u32 $0x1870, s11  }
0x6: {  	s10 =	sadd.s32 $0x6C000, s0;
	s25 =	sadd.s32 $0x6EFD2, s0;
	s5 =	sor.u32 s1, s4  }
0x7: {  	s4 =	simm.s32 $0x0;
	s7 =	ssub.s32 $0x2, s1;
	p3 =	seq.s32 s1, $0x1  }
0x8: {  	s1 =	simm.s32 $0x7680;
	s5 =	smul.u32 $0xC350, s5;
	[smem:$0x7FF] =	sst s4  }
0x9: {  	s8 =	sshrl.u32 s6, $0x3;
	s9 =	sshrl.u32 s7, $0x1;
	s21 =	sadd.s32 s6, s2  }
0xa: {  	p1 =	seq.s32 @p3 s11, $0xF;
	_ =	strace $0x8000004A;
	[dreg:$0x4] =	wrdreg s10  }
0xb: {  	p4 =	seq.s32 @!p3 s11, $0xF;
	s8 =	sadd.s32 s8, s0;
	[dreg:$0x8] =	wrdreg s21  }
0xc: {  	s7 =	ssub.s32 s7, s9;
	s10 =	sadd.s32 s6, s3;
	[dreg:$0xc] =	wrdreg s25  }
0xd: {  	p0 =	por !p1, !p3;
	p1 =	por p1, !p3;
	p2 =	por !p4, p3  }
0xe: {  	p3 =	por p4, p3;
	s6 =	simm.s32 $0x2;
	s18 =	sadd.s32 $0x68E00, s8  }
0xf: {  	s5 =	sshrl.u32 s5, $0x3;
	s19 =	sadd.s32 $0x1000, s8;
	[dreg:$0x5] =	wrdreg s18  }
0x10: {  	s20 =	sadd.s32 $0x40E0, s8;
	s24 =	sadd.s32 $0x6C200, s8;
	[dreg:$0x6] =	wrdreg s19  }
0x11: {  	s26 =	sadd.s32 $0x6F400, s8;
	s17 =	smax.u32 s7, $0x1;
	[dreg:$0x7] =	wrdreg s20  }
0x12: {  	s7 =	simm.s32 $0x0;
	s5 =	sadd.s32 s5, s0;
	[dreg:$0xb] =	wrdreg s24  }
0x13: {  	[dreg:$0xd] =	wrdreg s26;
	s0 =	sadd.s32 $0x721D2, s0;
	s26 =	simm.s32 $0x2710  }
0x14: {  	s22 =	sadd.s32 $0x7200, s5;
	s23 =	sadd.s32 $0x37F40, s5;
	[dreg:$0xe] =	wrdreg s0  }
0x15: {  	s18 =	sadd.s32 $0x76E2, s5;
	s19 =	sadd.s32 $0x38422, s5;
	s20 =	sadd.s32 $0x7BC4, s5  }
0x16: {  	s21 =	sadd.s32 $0x38904, s5;
	s24 =	sadd.s32 $0x8588, s5;
	[dreg:$0x9] =	wrdreg s22  }
0x17: {  	s25 =	sadd.s32 $0x392C8, s5;
	s0 =	simm.s32 $0x3;
	[dreg:$0xa] =	wrdreg s23  }
0x18: {  	v0 =	vimm.f32 $0.0e+00;
	s22 =	sadd.s32 $0x80A6, s5;
	s23 =	sadd.s32 $0x38DE6, s5;
	s5 =	simm.s32 $0x9E00  }
.LBB2_1:
0x19: {  	s8 =	rddreg [dreg:$0x5];
	s9 =	simm.s32 $0xC580  }
0x1a: {  	[tilespmem:s9], [sflag:$0x1] =	stream.linear.gather [hbm4b:s8+s4], $0x1870, $0x38;
	[tilespmem:$0x189E0] =	vst v63  }
0x1b: {  	s12 =	rddreg [dreg:$0x6]  }
0x1c: {  	[tilespmem:s28], [sflag:$0x1] =	stream.linear.gather [hbm4b:s12+s4], $0x1870, $0x38;
	[tilespmem:$0x189E0] =	vst v63  }
0x1d: {  	s13 =	rddreg [dreg:$0x7];
	s14 =	simm.s32 $0xF680  }
0x1e: {  	[tilespmem:s14], [sflag:$0x1] =	stream.linear.gather [hbm4b:s13+s4], $0x1870, $0x38;
	[tilespmem:$0x189E0] =	vst v63  }
0x1f: {  	s15 =	rddreg [dreg:$0x4];
	s16 =	simm.s32 $0x15880  }
0x20: {  	[tilespmem:s16], [sflag:$0x1] =	stream.linear.gather [hbm4b:s15+s4], $0x80, $0x38;
	[tilespmem:$0x189E0] =	vst v63  }
0x21: {  	_ =	swait.ge [sflag:s31], $0x1870  }
0x22: {  	[sflag:s31] =	ssyncset.done $0x0  }
0x23: {  	[sflag:s31] =	ssyncadd.s32 $0xFFFFE790  }
0x24: {  	_ =	swait.ge [sflag:s31], $0x1870  }
0x25: {  	[sflag:s31] =	ssyncset.done $0x0  }
0x26: {  	[sflag:s31] =	ssyncadd.s32 $0xFFFFE790  }
0x27: {  	_ =	swait.ge [sflag:s31], $0x1870  }
0x28: {  	[sflag:s31] =	ssyncset.done $0x0  }
0x29: {  	[sflag:s31] =	ssyncadd.s32 $0xFFFFE790  }
0x2a: {  	_ =	swait.ge [sflag:s31], $0x80  }
0x2b: {  	[sflag:s31] =	ssyncset.done $0x0  }
0x2c: {  	s13 =	simm.s32 $0x0;
	[sflag:s31] =	ssyncadd.s32 $0xFFFFFF80  }
0x2d: {  	v1 =	vld [tilespmem:s13+$0xDE00]  }
0x2e: {  	v2 =	vld [tilespmem:s13+$0xF680];
	_ =	sdelay $0x4  }
0x2f: {  	s11 =	simm.s32 $0x10;
	v1 =	vadd.f32 v2, v1  }
0x30: {  	v3 =	vld [tilespmem:s11+$0xF680]  }
0x31: {  	v2 =	vld [tilespmem:s11+$0xDE00];
	v1 =	vadd.f32 $1.000000000e+00, v1;
	_ =	sdelay $0x1  }
0x32: {  	v4 =	vshrl.u32 v1, $0x1;
	v1 =	vmul.f32 $5.000000000e-01, v1  }
0x33: {  	v4 =	vsub.s32 $0x5F3759DF, v4  }
0x34: {  	s9 =	simm.s32 $0x20;
	v5 =	vmul.f32 v4, v1  }
0x35: {  	v6 =	vld [tilespmem:s9+$0xF680];
	v2 =	vadd.f32 v3, v2  }
0x36: {  	v3 =	vld [tilespmem:s9+$0xDE00];
	v5 =	vmul.f32 v4, v5  }
0x37: {  	v2 =	vadd.f32 $1.000000000e+00, v2  }
0x38: {  	v5 =	vsub.f32 $1.500000000e+00, v5  }
0x39: {  	v7 =	vshrl.u32 v2, $0x1;
	v14 =	vmul.f32 $5.000000000e-01, v2  }
0x3a: {  	v2 =	vsub.s32 $0x5F3759DF, v7;
	v4 =	vmul.f32 v4, v5  }
0x3b: {  	s8 =	simm.s32 $0x30;
	v3 =	vadd.f32 v6, v3;
	v5 =	vmul.f32 v2, v14  }
0x3c: {  	v8 =	vld [tilespmem:s8+$0xF680];
	v6 =	vmul.f32 v4, v1  }
0x3d: {  	v7 =	vld [tilespmem:s8+$0xDE00];
	v3 =	vadd.f32 $1.000000000e+00, v3;
	v5 =	vmul.f32 v2, v5  }
0x3e: {  	v6 =	vmul.f32 v6, v4  }
0x3f: {  	v9 =	vshrl.u32 v3, $0x1;
	v3 =	vmul.f32 $5.000000000e-01, v3;
	v5 =	vsub.f32 $1.500000000e+00, v5  }
0x40: {  	v9 =	vsub.s32 $0x5F3759DF, v9;
	v6 =	vsub.f32 $1.500000000e+00, v6  }
0x41: {  	v10 =	vmul.f32 v2, v5;
	v2 =	vmul.f32 v9, v3  }
0x42: {  	s12 =	simm.s32 $0x40;
	v12 =	vmul.f32 v6, v4;
	v4 =	vadd.f32 v8, v7  }
0x43: {  	v6 =	vld [tilespmem:s12+$0xDE00];
	v5 =	vmul.f32 v10, v14;
	v2 =	vmul.f32 v9, v2  }
0x44: {  	v7 =	vld [tilespmem:s12+$0xF680];
	v1 =	vmul.f32 v12, v1;
	v4 =	vadd.f32 $1.000000000e+00, v4  }
0x45: {  	v5 =	vmul.f32 v5, v10;
	v8 =	vsub.f32 $1.500000000e+00, v2  }
0x46: {  	v11 =	vmul.f32 v1, v12;
	v13 =	vshrl.u32 v4, $0x1  }
0x47: {  	v2 =	vmul.f32 $5.000000000e-01, v4;
	v15 =	vsub.f32 $1.500000000e+00, v5;
	v5 =	vmul.f32 v9, v8;
	v8 =	vld [tilespmem:s13+$0xC580]  }
0x48: {  	v4 =	vsub.s32 $0x5F3759DF, v13;
	v9 =	vsub.f32 $1.500000000e+00, v11  }
0x49: {  	s14 =	simm.s32 $0x50;
	v1 =	vld [tilespmem:$0x15880];
	v13 =	vadd.f32 v7, v6;
	v16 =	vmul.f32 v4, v2;
	v6 =	vmul.f32 v15, v10  }
0x4a: {  	v7 =	vld [tilespmem:s14+$0xDE00];
	v11 =	vmul.f32 v5, v3;
	v10 =	vmul.f32 v9, v12  }
0x4b: {  	s15 =	simm.s32 $0x180;
	v9 =	vld [tilespmem:s14+$0xF680];
	v12 =	vadd.f32 $1.000000000e+00, v13;
	v13 =	vmul.f32 v4, v16;
	v14 =	vmul.f32 v6, v14  }
.LBB2_2:
0x4c: {  	p4 =	sne.s32 s15, $0x6180;
	v11 =	vmul.f32 v11, v5;
	[tilespmem:s13+$0x12780] =	vst v10;
	v10 =	vmul.f32 v10, v8;
	v15 =	vmov v6  }
0x4d: {  	v6 =	vshrl.u32 v12, $0x1;
	v13 =	vsub.f32 $1.500000000e+00, v13;
	v14 =	vmul.f32 v14, v15  }
.Ltmp0:
0x4e: {  	v16 =	vmul.f32 $5.000000000e-01, v12;
	v11 =	vsub.f32 $1.500000000e+00, v11;
	v8 =	vld [tilespmem:s11+$0xC580];
	v10 =	vmul.f32 v10, v1;
	(pc) =	sbr.rel @p4 .LBB2_2-.Ltmp0, $4  }
0x4f: {  	v12 =	vmul.f32 v4, v13;
	v4 =	vsub.s32 $0x5F3759DF, v6;
	v13 =	vsub.f32 $1.500000000e+00, v14  }
0x50: {  	s16 =	sshra.s32 s15, $0x2;
	v14 =	vadd.f32 v9, v7;
	v17 =	vmul.f32 v4, v16;
	v6 =	vmul.f32 v11, v5;
	[tilespmem:s13+$0x10F00] =	vst v10;
	s13 =	smov.u32 s11;
	s11 =	smov.u32 s9  }
0x51: {  	s9 =	smov.u32 s8;
	s8 =	smov.u32 s12;
	s12 =	smov.u32 s14;
	v7 =	vld [tilespmem:s16+$0xDE00];
	v11 =	vmul.f32 v12, v2;
	v10 =	vmul.f32 v13, v15;
	v5 =	vmov v12  }
0x52: {  	s15 =	sadd.s32 $0x40, s15;
	s14 =	smov.u32 s16;
	v9 =	vld [tilespmem:s16+$0xF680];
	v12 =	vadd.f32 $1.000000000e+00, v14;
	v13 =	vmul.f32 v4, v17;
	v14 =	vmul.f32 v6, v3;
	v3 =	vmovc v2;
	v2 =	vmovc v16  }
0x53: {  	_ = 	snop  }
0x54: {  	v11 =	vmul.f32 v11, v5  }
0x55: {  	v8 =	vmul.f32 v10, v8;
	v15 =	vshrl.u32 v12, $0x1;
	v40 =	vmul.f32 $5.000000000e-01, v12  }
0x56: {  	v13 =	vsub.f32 $1.500000000e+00, v13;
	v14 =	vmul.f32 v14, v6;
	v15 =	vsub.s32 $0x5F3759DF, v15  }
0x57: {  	v11 =	vsub.f32 $1.500000000e+00, v11;
	v41 =	vmul.f32 v15, v40;
	v7 =	vadd.f32 v9, v7  }
0x58: {  	[tilespmem:s13+$0x12780] =	vst v10;
	v8 =	vmul.f32 v8, v1;
	v4 =	vmul.f32 v4, v13;
	v42 =	vsub.f32 $1.500000000e+00, v14  }
0x59: {  	v43 =	vld [tilespmem:s11+$0xC580];
	v44 =	vmul.f32 v11, v5;
	v9 =	vmul.f32 v15, v41;
	v7 =	vadd.f32 $1.000000000e+00, v7  }
0x5a: {  	v45 =	vmul.f32 v4, v2;
	v46 =	vmul.f32 v42, v6  }
0x5b: {  	v9 =	vsub.f32 $1.500000000e+00, v9;
	v47 =	vshrl.u32 v7, $0x1;
	v7 =	vmul.f32 $5.000000000e-01, v7  }
0x5c: {  	v3 =	vmul.f32 v44, v3;
	v11 =	vmul.f32 v45, v4;
	v10 =	vsub.s32 $0x5F3759DF, v47  }
0x5d: {  	v9 =	vmul.f32 v15, v9;
	v48 =	vmul.f32 v10, v7  }
0x5e: {  	v13 =	vmul.f32 v46, v43;
	v3 =	vmul.f32 v3, v44;
	v11 =	vsub.f32 $1.500000000e+00, v11  }
0x5f: {  	[tilespmem:s13+$0x10F00] =	vst v8;
	v49 =	vmul.f32 v9, v40;
	v14 =	vmul.f32 v10, v48  }
0x60: {  	[tilespmem:s11+$0x12780] =	vst v46;
	v3 =	vsub.f32 $1.500000000e+00, v3;
	v4 =	vmul.f32 v11, v4  }
0x61: {  	v6 =	vld [tilespmem:s9+$0xC580];
	v50 =	vmul.f32 v13, v1;
	v8 =	vmul.f32 v49, v9;
	v51 =	vsub.f32 $1.500000000e+00, v14  }
0x62: {  	v3 =	vmul.f32 v3, v44;
	v2 =	vmul.f32 v4, v2  }
0x63: {  	[tilespmem:s11+$0x10F00] =	vst v50;
	v52 =	vsub.f32 $1.500000000e+00, v8;
	v53 =	vmul.f32 v10, v51  }
0x64: {  	[tilespmem:s9+$0x12780] =	vst v3;
	v2 =	vmul.f32 v2, v4  }
0x65: {  	v54 =	vld [tilespmem:s8+$0xC580];
	v5 =	vmul.f32 v52, v9;
	v55 =	vmul.f32 v53, v7  }
0x66: {  	v3 =	vmul.f32 v3, v6;
	v2 =	vsub.f32 $1.500000000e+00, v2  }
0x67: {  	v56 =	vmul.f32 v5, v40;
	v9 =	vmul.f32 v55, v53  }
0x68: {  	v2 =	vmul.f32 v2, v4  }
0x69: {  	v3 =	vmul.f32 v3, v1;
	v57 =	vmul.f32 v56, v5;
	v58 =	vsub.f32 $1.500000000e+00, v9  }
0x6a: {  	v59 =	vmul.f32 v2, v54  }
0x6b: {  	[tilespmem:s9+$0x10F00] =	vst v3;
	v3 =	vsub.f32 $1.500000000e+00, v57;
	v60 =	vmul.f32 v58, v53  }
0x6c: {  	[tilespmem:s8+$0x12780] =	vst v2;
	v2 =	vmul.f32 v59, v1  }
0x6d: {  	v3 =	vmul.f32 v3, v5;
	v62 =	vmul.f32 v60, v7  }
0x6e: {  	v61 =	vld [tilespmem:s12+$0xC580];
	[tilespmem:s8+$0x10F00] =	vst v2  }
0x6f: {  	[tilespmem:s12+$0x12780] =	vst v3;
	v2 =	vmul.f32 v62, v60  }
0x70: {  	v63 =	vld [tilespmem:s14+$0xC580]  }
0x71: {  	v2 =	vsub.f32 $1.500000000e+00, v2;
	_ =	sdelay $0x1  }
0x72: {  	v3 =	vmul.f32 v3, v61;
	v2 =	vmul.f32 v2, v60;
	_ =	sdelay $0x1  }
0x73: {  	v3 =	vmul.f32 v3, v1;
	v4 =	vmul.f32 v2, v63;
	_ =	sdelay $0x1  }
0x74: {  	[tilespmem:s12+$0x10F00] =	vst v3;
	v1 =	vmul.f32 v4, v1  }
0x75: {  	[tilespmem:s14+$0x12780] =	vst v2  }
0x76: {  	s15 =	rddreg [dreg:$0x8];
	s16 =	simm.s32 $0x10F00;
	[tilespmem:s14+$0x10F00] =	vst v1  }
0x77: {  	[spmem:s15] =	stream.linear.scatter [tilespmem:s16], [sflag:$0x3], $0x1870, $0x38;
	[tilespmem:$0x189E0] =	vst v63  }
0x78: {  	_ =	swait.ge [sflag:s0], $0x1870  }
0x79: {  	[sflag:s0] =	ssyncset.done $0x0  }
0x7a: {  	s9 =	simm.s32 $0x0;
	s8 =	simm.s32 $0x40;
	[sflag:s0] =	ssyncadd.s32 $0xFFFFE790  }
.LBB2_4:
0x7b: {  	p4 =	sne.s32 s8, $0x6180;
	[tilespmem:s9+$0x14000] =	vst v0;
	s9 =	smov.u32 s8;
	s8 =	sadd.s32 $0x40, s8  }
.Ltmp1:
0x7c: {  	(pc) =	sbr.rel @p4 .LBB2_4-.Ltmp1, $2  }
0x7d: {  	_ =	sdelay $0x2  }
0x7e: {  	s9 =	sshra.s32 s9, $0x2  }
0x7f: {  	[tilespmem:s9+$0x14000] =	vst v0;
	s8 =	simm.s32 $0x14000  }
0x80: {  	[spmem:s10] =	stream.linear.scatter [tilespmem:s8], [sflag:$0x3], $0x1870, $0x38;
	[tilespmem:$0x189E0] =	vst v63  }
0x81: {  	_ =	swait.ge [sflag:s0], $0x1870  }
0x82: {  	[sflag:s0] =	ssyncset.done $0x0  }
0x83: {  	[sflag:s0] =	ssyncadd.s32 $0xFFFFE790  }
0x84: {  	[bflag:$0x0] =	sbarrier.arrive $0xFFFF  }
0x85: {  	s14 =	simm.s32 $0x0;
	s15 =	rddreg [dreg:$0x9]  }
0x86: {  	[tilespmem:s14], [sflag:$0x1] =	stream.linear.gather [hbm4b:s15+s14], $0x2710, $0x38;
	[tilespmem:$0x189E0] =	vst v63  }
0x87: {  	s16 =	rddreg [dreg:$0xa]  }
0x88: {  	[tilespmem:s29], [sflag:$0x1] =	stream.linear.gather [hbm4b:s16+s14], $0x2710, $0x38;
	[tilespmem:$0x189E0] =	vst v63  }
0x89: {  	_ = 	snop  }
0x8a: {  	[tilespmem:s30], [sflag:$0x2] =	stream.linear.gather [hbm4b:s18+s14], $0x2710, $0x38;
	[tilespmem:$0x189E0] =	vst v63  }
0x8b: {  	_ = 	snop  }
0x8c: {  	[tilespmem:s1], [sflag:$0x2] =	stream.linear.gather [hbm4b:s19+s14], $0x2710, $0x38;
	[tilespmem:$0x189E0] =	vst v63  }
0x8d: {  	_ =	swait.ge [sflag:s31], $0x2710  }
0x8e: {  	[sflag:s31] =	ssyncset.done $0x0  }
0x8f: {  	[sflag:s31] =	ssyncadd.s32 $0xFFFFD8F0  }
0x90: {  	_ =	swait.ge [sflag:s31], $0x2710  }
0x91: {  	[sflag:s31] =	ssyncset.done $0x0  }
0x92: {  	[sflag:s31] =	ssyncadd.s32 $0xFFFFD8F0  }
0x93: {  	[tilespmem:s5], [sflag:$0x3] =	stream.indirect.gather [spmem:s2], $0x1, s14, s26, $0xb8;
	[tilespmem:$0x189E0] =	vst v63  }
0x94: {  	_ =	swait.ge [sflag:s0], $0x2710  }
0x95: {  	[sflag:s0] =	ssyncset.done $0x0  }
0x96: {  	[sflag:s0] =	ssyncadd.s32 $0xFFFFD8F0  }
0x97: {  	[spmem:s3] =	stream.indirect.scatter.add.f32 [tilespmem:s5], [sflag:$0x3], $0x1, s29, s26, $0xb8;
	[tilespmem:$0x189E0] =	vst v63  }
0x98: {  	_ =	swait.ge [sflag:s0], $0x2710  }
0x99: {  	[sflag:s0] =	ssyncset.done $0x0  }
0x9a: {  	[sflag:s0] =	ssyncadd.s32 $0xFFFFD8F0  }
0x9b: {  	[tilespmem:s14], [sflag:$0x1] =	stream.linear.gather [hbm4b:s20+s14], $0x2710, $0x38;
	[tilespmem:$0x189E0] =	vst v63  }
0x9c: {  	_ = 	snop  }
0x9d: {  	[tilespmem:s29], [sflag:$0x1] =	stream.linear.gather [hbm4b:s21+s14], $0x2710, $0x38;
	[tilespmem:$0x189E0] =	vst v63  }
0x9e: {  	_ =	swait.ge [sflag:s6], $0x2710  }
0x9f: {  	[sflag:s6] =	ssyncset.done $0x0  }
0xa0: {  	[sflag:s6] =	ssyncadd.s32 $0xFFFFD8F0  }
0xa1: {  	_ =	swait.ge [sflag:s6], $0x2710  }
0xa2: {  	[sflag:s6] =	ssyncset.done $0x0  }
0xa3: {  	[sflag:s6] =	ssyncadd.s32 $0xFFFFD8F0  }
0xa4: {  	[tilespmem:s5], [sflag:$0x3] =	stream.indirect.gather [spmem:s2], $0x1, s30, s26, $0xb8;
	[tilespmem:$0x189E0] =	vst v63  }
0xa5: {  	_ =	swait.ge [sflag:s0], $0x2710  }
0xa6: {  	[sflag:s0] =	ssyncset.done $0x0  }
0xa7: {  	[sflag:s0] =	ssyncadd.s32 $0xFFFFD8F0  }
0xa8: {  	[spmem:s3] =	stream.indirect.scatter.add.f32 [tilespmem:s5], [sflag:$0x3], $0x1, s1, s26, $0xb8;
	[tilespmem:$0x189E0] =	vst v63  }
0xa9: {  	_ =	swait.ge [sflag:s0], $0x2710  }
0xaa: {  	[sflag:s0] =	ssyncset.done $0x0  }
0xab: {  	[sflag:s0] =	ssyncadd.s32 $0xFFFFD8F0  }
0xac: {  	[tilespmem:s30], [sflag:$0x2] =	stream.linear.gather [hbm4b:s22+s14], $0x2710, $0x38;
	[tilespmem:$0x189E0] =	vst v63  }
0xad: {  	_ = 	snop  }
0xae: {  	[tilespmem:s1], [sflag:$0x2] =	stream.linear.gather [hbm4b:s23+s14], $0x2710, $0x38;
	[tilespmem:$0x189E0] =	vst v63  }
0xaf: {  	_ =	swait.ge [sflag:s31], $0x2710  }
0xb0: {  	[sflag:s31] =	ssyncset.done $0x0  }
0xb1: {  	[sflag:s31] =	ssyncadd.s32 $0xFFFFD8F0  }
0xb2: {  	_ =	swait.ge [sflag:s31], $0x2710  }
0xb3: {  	[sflag:s31] =	ssyncset.done $0x0  }
0xb4: {  	[sflag:s31] =	ssyncadd.s32 $0xFFFFD8F0  }
0xb5: {  	[tilespmem:s5], [sflag:$0x3] =	stream.indirect.gather [spmem:s2], $0x1, s14, s26, $0xb8;
	[tilespmem:$0x189E0] =	vst v63  }
0xb6: {  	_ =	swait.ge [sflag:s0], $0x2710  }
0xb7: {  	[sflag:s0] =	ssyncset.done $0x0  }
0xb8: {  	[sflag:s0] =	ssyncadd.s32 $0xFFFFD8F0  }
0xb9: {  	[spmem:s3] =	stream.indirect.scatter.add.f32 [tilespmem:s5], [sflag:$0x3], $0x1, s29, s26, $0xb8;
	[tilespmem:$0x189E0] =	vst v63  }
0xba: {  	_ =	swait.ge [sflag:s0], $0x2710  }
0xbb: {  	[sflag:s0] =	ssyncset.done $0x0  }
0xbc: {  	[sflag:s0] =	ssyncadd.s32 $0xFFFFD8F0  }
0xbd: {  	[tilespmem:s14], [sflag:$0x1] =	stream.linear.gather [hbm4b:s24+s14], $0x2710, $0x38;
	[tilespmem:$0x189E0] =	vst v63  }
0xbe: {  	_ = 	snop  }
0xbf: {  	[tilespmem:s29], [sflag:$0x1] =	stream.linear.gather [hbm4b:s25+s14], $0x2710, $0x38;
	[tilespmem:$0x189E0] =	vst v63  }
0xc0: {  	_ =	swait.ge [sflag:s6], $0x2710  }
0xc1: {  	[sflag:s6] =	ssyncset.done $0x0  }
0xc2: {  	[sflag:s6] =	ssyncadd.s32 $0xFFFFD8F0  }
0xc3: {  	_ =	swait.ge [sflag:s6], $0x2710  }
0xc4: {  	[sflag:s6] =	ssyncset.done $0x0  }
0xc5: {  	[sflag:s6] =	ssyncadd.s32 $0xFFFFD8F0  }
0xc6: {  	[tilespmem:s5], [sflag:$0x3] =	stream.indirect.gather [spmem:s2], $0x1, s30, s26, $0xb8;
	[tilespmem:$0x189E0] =	vst v63  }
0xc7: {  	_ =	swait.ge [sflag:s0], $0x2710  }
0xc8: {  	[sflag:s0] =	ssyncset.done $0x0  }
0xc9: {  	[sflag:s0] =	ssyncadd.s32 $0xFFFFD8F0  }
0xca: {  	[spmem:s3] =	stream.indirect.scatter.add.f32 [tilespmem:s5], [sflag:$0x3], $0x1, s1, s26, $0xb8;
	[tilespmem:$0x189E0] =	vst v63  }
0xcb: {  	_ =	swait.ge [sflag:s0], $0x2710  }
0xcc: {  	[sflag:s0] =	ssyncset.done $0x0  }
0xcd: {  	[sflag:s0] =	ssyncadd.s32 $0xFFFFD8F0  }
0xce: {  	_ =	swait.ge [sflag:s31], $0x2710  }
0xcf: {  	[sflag:s31] =	ssyncset.done $0x0  }
0xd0: {  	[sflag:s31] =	ssyncadd.s32 $0xFFFFD8F0  }
0xd1: {  	_ =	swait.ge [sflag:s31], $0x2710  }
0xd2: {  	[sflag:s31] =	ssyncset.done $0x0  }
0xd3: {  	[sflag:s31] =	ssyncadd.s32 $0xFFFFD8F0  }
0xd4: {  	[tilespmem:s5], [sflag:$0x3] =	stream.indirect.gather [spmem:s2], $0x1, s14, s26, $0xb8;
	[tilespmem:$0x189E0] =	vst v63  }
0xd5: {  	_ =	swait.ge [sflag:s0], $0x2710  }
0xd6: {  	[sflag:s0] =	ssyncset.done $0x0  }
0xd7: {  	[sflag:s0] =	ssyncadd.s32 $0xFFFFD8F0  }
0xd8: {  	[spmem:s3] =	stream.indirect.scatter.add.f32 [tilespmem:s5], [sflag:$0x3], $0x1, s29, s26, $0xb8;
	[tilespmem:$0x189E0] =	vst v63  }
0xd9: {  	_ =	swait.ge [sflag:s0], $0x2710  }
0xda: {  	[sflag:s0] =	ssyncset.done $0x0  }
0xdb: {  	[sflag:s0] =	ssyncadd.s32 $0xFFFFD8F0  }
0xdc: {  	[bflag:$0x0] =	sbarrier.arrive $0xFFFF  }
0xdd: {  	[tilespmem:s28], [sflag:$0x3] =	stream.linear.gather [spmem:s10], $0x1870, $0x38;
	[tilespmem:$0x189E0] =	vst v63  }
0xde: {  	_ =	swait.ge [sflag:s0], $0x1870  }
0xdf: {  	[sflag:s0] =	ssyncset.done $0x0  }
0xe0: {  	s8 =	simm.s32 $0x0;
	[sflag:s0] =	ssyncadd.s32 $0xFFFFE790  }
0xe1: {  	v1 =	vld [tilespmem:s8+$0x10F00];
	_ =	sdelay $0x1  }
0xe2: {  	v2 =	vld [tilespmem:s8+$0xDE00];
	_ =	sdelay $0x1  }
0xe3: {  	v3 =	vld [tilespmem:s8+$0x12780]  }
0xe4: {  	v1 =	vmul.f32 $5.000000000e-01, v1;
	_ =	sdelay $0x1  }
0xe5: {  	v1 =	vadd.f32 v1, v2;
	_ =	sdelay $0x1  }
0xe6: {  	s11 =	simm.s32 $0x10;
	s9 =	simm.s32 $0x80;
	v1 =	vmul.f32 v1, v3  }
.LBB2_6:
0xe7: {  	p4 =	sne.s32 s9, $0x6180;
	v2 =	vld [tilespmem:s11+$0x10F00]  }
0xe8: {  	[tilespmem:s8+$0xDE00] =	vst v1;
	s8 =	smov.u32 s11  }
0xe9: {  	v1 =	vld [tilespmem:s8+$0xDE00];
	_ =	sdelay $0x1  }
0xea: {  	v3 =	vld [tilespmem:s8+$0x12780]  }
.Ltmp2:
0xeb: {  	v2 =	vmul.f32 $5.000000000e-01, v2;
	(pc) =	sbr.rel @p4 .LBB2_6-.Ltmp2, $3  }
0xec: {  	_ = 	snop  }
0xed: {  	v1 =	vadd.f32 v2, v1;
	_ =	sdelay $0x1  }
0xee: {  	s11 =	sshra.s32 s9, $0x2;
	s9 =	sadd.s32 $0x40, s9;
	v1 =	vmul.f32 v1, v3  }
0xef: {  	v2 =	vld [tilespmem:s11+$0x10F00]  }
0xf0: {  	[tilespmem:s8+$0xDE00] =	vst v1  }
0xf1: {  	v1 =	vld [tilespmem:s11+$0xDE00];
	_ =	sdelay $0x1  }
0xf2: {  	v3 =	vld [tilespmem:s11+$0x12780]  }
0xf3: {  	v2 =	vmul.f32 $5.000000000e-01, v2;
	_ =	sdelay $0x1  }
0xf4: {  	v1 =	vadd.f32 v2, v1;
	_ =	sdelay $0x1  }
0xf5: {  	v1 =	vmul.f32 v1, v3;
	_ =	sdelay $0x1  }
0xf6: {  	s9 =	simm.s32 @!p0 $0xDE00;
	s8 =	simm.s32 @!p0 $0x0;
	[tilespmem:s11+$0xDE00] =	vst v1;
	s11 =	rddreg [dreg:$0xe]  }
0xf7: {  	[hbm4b:s11+s8] =	stream.linear.scatter @!p0 [tilespmem:s9], [sflag:$0x3], $0x1810, $0x38;
	[tilespmem:$0x189E0] =	vst v63  }
0xf8: {  	s8 =	simm.s32 @!p0 $0x3  }
0xf9: {  	_ =	swait.ge @!p0 [sflag:s8], $0x1810  }
0xfa: {  	s9 =	simm.s32 @!p1 $0xDE00;
	[sflag:s8] =	ssyncset.done @!p0 $0x0  }
0xfb: {  	s11 =	rddreg [dreg:$0xd];
	[sflag:s8] =	ssyncadd.s32 @!p0 $0xFFFFE7F0;
	s8 =	simm.s32 @!p1 $0x0  }
0xfc: {  	[hbm4b:s11+s8] =	stream.linear.scatter @!p1 [tilespmem:s9], [sflag:$0x3], $0x1870, $0x38;
	[tilespmem:$0x189E0] =	vst v63  }
0xfd: {  	s8 =	simm.s32 @!p1 $0x3  }
0xfe: {  	_ =	swait.ge @!p1 [sflag:s8], $0x1870  }
0xff: {  	s9 =	simm.s32 @!p2 $0xDE00;
	[sflag:s8] =	ssyncset.done @!p1 $0x0  }
0x100: {  	s11 =	rddreg [dreg:$0xc];
	[sflag:s8] =	ssyncadd.s32 @!p1 $0xFFFFE790;
	s8 =	simm.s32 @!p2 $0x0  }
0x101: {  	[hbm4b:s11+s8] =	stream.linear.scatter @!p2 [tilespmem:s9], [sflag:$0x3], $0x1810, $0x38;
	[tilespmem:$0x189E0] =	vst v63  }
0x102: {  	s8 =	simm.s32 @!p2 $0x3  }
0x103: {  	s7 =	sadd.s32 $0x1, s7;
	_ =	swait.ge @!p2 [sflag:s8], $0x1810  }
0x104: {  	p4 =	sne.s32 s7, s17;
	s9 =	simm.s32 @!p3 $0xDE00;
	[sflag:s8] =	ssyncset.done @!p2 $0x0  }
0x105: {  	s11 =	rddreg [dreg:$0xb];
	[sflag:s8] =	ssyncadd.s32 @!p2 $0xFFFFE7F0;
	s8 =	simm.s32 @!p3 $0x0  }
0x106: {  	[hbm4b:s11+s8] =	stream.linear.scatter @!p3 [tilespmem:s9], [sflag:$0x3], $0x1870, $0x38;
	[tilespmem:$0x189E0] =	vst v63  }
.Ltmp3:
0x107: {  	_ = 	snop;
	(pc) =	sbr.rel @p4 .LBB2_1-.Ltmp3, $4  }
0x108: {  	s8 =	simm.s32 @!p3 $0x3  }
0x109: {  	_ =	swait.ge @!p3 [sflag:s8], $0x1870  }
0x10a: {  	[sflag:s8] =	ssyncset.done @!p3 $0x0  }
0x10b: {  	[sflag:s8] =	ssyncadd.s32 @!p3 $0xFFFFE790  }
0x10c: {  	_ =	sfence.sel $0x180000  }
0x10d: {  	[bflag:$0x0] =	sbarrier.arrive $0xFFFF  }
0x10e: {  	_ =	strace $0x9000004A  }
0x10f: {  	s0 =	stileid.u32;
	[bflag:$0x2] =	sbarrier.arrive $0xFFFF  }
0x110: {  	p0 =	sne.s32 s0, $0x0;
	s0 =	rddreg [dreg:$0x3]  }
0x111: {  	s0 =	sadd.s32 @!p0 $0x100000, s0  }
0x112: {  	[sflag:s0] =	ssyncadd.tile.s32 @!p0 $0x1;
	_ =	shalt  }
.Lfunc_end2:
_tile_overlayer_lowered:
.L_overlay_start_2:
0x113: {  	(tag) =	ssettag $0x2  }
0x114: {  	s0 =	rddreg [dreg:$0x0];
	s2 =	stileid.u32  }
0x115: {  	s1 =	rddreg [dreg:$0x1];
	p0 =	sne.s32 s2, $0x0  }
0x116: {  	s3 =	rddreg [dreg:$0x2];
	[bflag:$0x3] =	sbarrier.arrive $0xFFFF;
	s2 =	simm.s32 @!p0 $0x1C03  }
0x117: {  	[timem:s3], [sflag:s2] =	dma.local @!p0 [hbm:s0], s1  }
0x118: {  	s0 =	simm.s32 @!p0 $0x3  }
0x119: {  	_ =	swait.ge @!p0 [sflag:s0], s1  }
0x11a: {  	s1 =	ssub.s32 @!p0 $0x0, s1;
	[sflag:s0] =	ssyncset.done @!p0 $0x0  }
0x11b: {  	[sflag:s0] =	ssyncadd.s32 @!p0 s1  }
0x11c: {  	[bflag:$0x3] =	sbarrier.arrive $0xFFFF  }
0x11d: {  	_ =	shalt  }

</sc_bundles>
